<compile_context>
chip_gen: v7x
topology: tpu7x:2x2x1
jax: 0.10.2.dev20260603
libtpu: 0.0.44.dev20260713+nightly
codegen_flags: <defaults>
</compile_context>

<pallas_src>
import functools

import jax
import jax.numpy as jnp
from jax import lax
from jax.experimental import pallas as pl
from jax.experimental.pallas import tpu as pltpu
from jax.experimental.pallas import tpu_sc as plsc

B = 4608
L = 256
K = 1024
C = 6

RB1 = 512
NBR1 = B // RB1

CB = 512
NB3 = B // CB



def _topc_kernel(x_ref, e_ref, cid_ref, e2_ref):
    r = pl.program_id(0)

    @pl.when(r == 0)
    def _():
        e0 = e_ref[...]
        e2_ref[...] = jnp.sum(e0 * e0, axis=1, keepdims=True).T

    xb = x_ref[...]
    s = jax.lax.dot_general(
        xb, e_ref[...], (((1,), (1,)), ((), ())),
        precision=jax.lax.Precision.HIGHEST,
        preferred_element_type=jnp.float32)
    t = e2_ref[...] - (s + s)
    lanes = jax.lax.broadcasted_iota(jnp.int32, t.shape, 1)
    ids = []
    for _ in range(C):
        idc = jnp.argmin(t, axis=1).astype(jnp.int32)
        ids.append(idc)
        t = jnp.where(lanes == idc[:, None], jnp.inf, t)
    cid_ref[0] = jnp.stack(ids, axis=1)


def _top_candidates(x2d, e2d):
    return pl.pallas_call(
        _topc_kernel,
        grid=(NBR1,),
        in_specs=[
            pl.BlockSpec((RB1, L), lambda r: (r, 0)),
            pl.BlockSpec((K, L), lambda r: (0, 0)),
        ],
        out_specs=pl.BlockSpec((1, RB1, C), lambda r: (r, 0, 0)),
        out_shape=jax.ShapeDtypeStruct((NBR1, RB1, C), jnp.int32),
        scratch_shapes=[pltpu.VMEM((1, K), jnp.float32)],
        compiler_params=pltpu.CompilerParams(
            dimension_semantics=("arbitrary",),
        ),
    )(x2d, e2d)



_NC, _NS = 2, 16
_NW = _NC * _NS
_M = B * C
_PER_W = _M // _NW
_CHUNK = 216
_NCHUNK = _PER_W // _CHUNK


def _sc_gather(e2d, cid_flat):
    mesh = plsc.VectorSubcoreMesh(core_axis_name="c", subcore_axis_name="s")

    @functools.partial(
        pl.kernel, mesh=mesh,
        out_type=jax.ShapeDtypeStruct((_M, L), jnp.float32),
        scratch_types=[
            pltpu.VMEM((_CHUNK,), jnp.int32),
            pltpu.VMEM((_CHUNK, L), jnp.float32),
            pltpu.SemaphoreType.DMA,
        ],
    )
    def k2(table_hbm, idx_hbm, out_hbm, idx_v, rows_v, sem):
        wid = lax.axis_index("s") * _NC + lax.axis_index("c")
        for t in range(_NCHUNK):
            base = wid * _PER_W + t * _CHUNK
            pltpu.sync_copy(idx_hbm.at[pl.ds(base, _CHUNK)], idx_v)
            pltpu.async_copy(table_hbm.at[idx_v], rows_v, sem).wait()
            pltpu.sync_copy(rows_v, out_hbm.at[pl.ds(base, _CHUNK)])

    return k2(e2d, cid_flat)



def _select_kernel(x_ref, cnd_ref, cid_ref, out0_ref, d2_ref, hist_ref,
                   ent_ref):
    r = pl.program_id(0)
    xb = x_ref[...]
    xt = xb.T
    cid = cid_ref[...].T
    planes = []
    d2s = []
    for c in range(C):
        pc = cnd_ref[:, c, :].T
        planes.append(pc)
        diffc = xt - pc
        yc = diffc * diffc
        zc = yc[:128, :] + yc[128:, :]
        zr = zc.reshape(16, 8, CB)
        acc = zr[0]
        for g in range(1, 16):
            acc = acc + zr[g]
        t4 = acc[:4, :] + acc[4:, :]
        t2 = t4[:2, :] + t4[2:, :]
        d2s.append(t2[0, :] + t2[1, :])
    d2c = jnp.stack(d2s, axis=0)
    dc = jnp.sqrt(d2c)
    m = jnp.min(dc, axis=0)
    tied = dc == m[None, :]
    jsel = jnp.min(jnp.where(tied, cid, K), axis=0)
    csel = cid == jsel[None, :]
    d2sel = jnp.min(jnp.where(csel, d2c, jnp.inf), axis=0)
    sel = planes[0]
    for c in range(1, C):
        sel = jnp.where(csel[c][None, :], planes[c], sel)
    out0_ref[...] = (sel.T - xb) + xb
    d2_ref[...] = d2sel[None, None, :]
    bid = (jax.lax.broadcasted_iota(jnp.int32, (8, 128, 1), 0) * 128
           + jax.lax.broadcasted_iota(jnp.int32, (8, 128, 1), 1))
    oh = jnp.where(bid == jsel[None, None, :], 1.0, 0.0)
    partial = jnp.sum(oh, axis=2)

    @pl.when(r == 0)
    def _():
        hist_ref[...] = partial

    @pl.when(r > 0)
    def _():
        hist_ref[...] = hist_ref[...] + partial

    @pl.when(r == NB3 - 1)
    def _():
        h = hist_ref[...]
        prob = h / B
        safe = jnp.where(h > 0, prob, 1.0)
        ent_ref[0, 0] = -jnp.sum(jnp.where(h > 0, prob * jnp.log(safe), 0.0))


def _select_outputs(x2d, cand, cid):
    return pl.pallas_call(
        _select_kernel,
        grid=(NB3,),
        in_specs=[
            pl.BlockSpec((CB, L), lambda r: (r, 0)),
            pl.BlockSpec((CB, C, L), lambda r: (r, 0, 0)),
            pl.BlockSpec((CB, C), lambda r: (r, 0)),
        ],
        out_specs=[
            pl.BlockSpec((CB, L), lambda r: (r, 0)),
            pl.BlockSpec((1, 1, CB), lambda r: (r, 0, 0)),
            pl.BlockSpec((8, 128), lambda r: (0, 0)),
            pl.BlockSpec(memory_space=pltpu.SMEM),
        ],
        out_shape=[
            jax.ShapeDtypeStruct((B, L), jnp.float32),
            jax.ShapeDtypeStruct((NB3, 1, CB), jnp.float32),
            jax.ShapeDtypeStruct((8, 128), jnp.float32),
            jax.ShapeDtypeStruct((1, 1), jnp.float32),
        ],
        compiler_params=pltpu.CompilerParams(
            dimension_semantics=("arbitrary",),
        ),
    )(x2d, cand, cid)


def kernel(x0, embedding0):
    x2d = x0.reshape(B, L)
    e2d = embedding0.reshape(K, L)
    cid = _top_candidates(x2d, e2d).reshape(B, C)
    cand = _sc_gather(e2d, cid.reshape(_M))
    out0, d2min, _hist, ent = _select_outputs(x2d, cand.reshape(B, C, L), cid)
    out1 = d2min.reshape(x0.shape[0], x0.shape[1], x0.shape[2])
    return (out0.reshape(x0.shape), out1, out1, ent[0, 0])

# --- scband reference (transcript-rebuilt; emitter-appended) ---
"""Pipeline reference for scband-vector-quant-68015102100091 (READ-ONLY COPY).

The authoritative reference and input builder live on the scoring server;
editing this copy changes nothing except your own understanding.
"""

import jax, jax.numpy as jnp
import numpy as np
import math


def setup_inputs(seed: int = 0) -> dict:
    key = jax.random.key(seed)
    k1, k2 = jax.random.split(key)
    x0 = jax.random.normal(k1, (8, 576, 1, 256), dtype=jnp.float32)
    embedding0 = jax.random.normal(k2, (1, 1024, 256), dtype=jnp.float32) * 0.001
    return {"x0": x0, "embedding0": embedding0}


def _compute_index(x, embedding):
    # x: (N, S, C, L), embedding: (C, K, L)
    B = x.shape[0] * x.shape[1]
    x1 = x.reshape(B, x.shape[2], 1, x.shape[3])
    chunks = []
    for i in range(0, B, 512):
        xc = x1[i:i + 512]  # (c, C, 1, L)
        d = jnp.linalg.norm(xc - embedding[None, :, :, :], axis=3)  # (c, C, K)
        chunks.append(jnp.argmin(d, axis=2))  # (c, C)
    return jnp.concatenate(chunks, axis=0)  # (B, C)


def reference(x0, embedding0):
    n_channels, n_classes, vec_len = embedding0.shape
    # normalize=False branch
    x = x0
    embedding = embedding0
    # argmin nearest-codeword search (chunked by 512 rows like torch .split(512))
    index = _compute_index(jax.lax.stop_gradient(x), jax.lax.stop_gradient(embedding))
    # entropy of code usage (histc over n_classes bins)
    hist = jnp.bincount(index.reshape(-1), length=n_classes).astype(jnp.float32)
    prob = hist / index.shape[0]
    safe_prob = jnp.where(hist > 0, prob, 1.0)
    entropy = -jnp.sum(jnp.where(hist > 0, prob * jnp.log(safe_prob), 0.0))
    offset = jnp.arange(n_channels, dtype=index.dtype) * n_classes
    index1 = (index + offset[None, :]).reshape(-1)
    output_flat = jnp.take(embedding.reshape(-1, vec_len), index1, axis=0)
    output = output_flat.reshape(x.shape)
    out0 = jax.lax.stop_gradient(output - x) + x  # straight-through
    out1 = jnp.sum(jnp.square(jax.lax.stop_gradient(x) - output), axis=3)  # == norm(dim=3)**2
    out2 = jnp.sum(jnp.square(x - jax.lax.stop_gradient(output)), axis=3) + jnp.sum(jnp.square(x - x0), axis=3)
    return (out0, out1, out2, entropy)

if __name__ == "__main__":
    import jax
    _d = setup_inputs()
    print(jax.jit(kernel)(*tuple(_d.values())))

</pallas_src>

<mosaic_0001>
#map = affine_map<(d0, d1) -> (0, 0)>
#map1 = affine_map<(d0, d1) -> (0)>
module attributes {stable_mosaic.version = 14 : i64} {
  func.func @k2(%arg0: i32, %arg1: i32, %arg2: memref<1024x256xf32, #tpu.memory_space<hbm>>, %arg3: memref<27648xi32, #tpu.memory_space<hbm>>, %arg4: memref<27648x256xf32, #tpu.memory_space<hbm>>, %arg5: memref<216xi32, #tpu.memory_space<vmem>>, %arg6: memref<216x256xf32, #tpu.memory_space<vmem>>, %arg7: memref<!tpu.dma_semaphore, #tpu.memory_space<semaphore_mem>>) attributes {dimension_semantics = [#tpu.dimension_semantics<core_parallel>, #tpu.dimension_semantics<subcore_parallel>], iteration_bounds = array<i64: 2, 16>, scalar_prefetch = 0 : i64, scratch_operands = 3 : i64, tpu.core_type = #tpu.core_type<sc_vector_subcore>, window_params = [{transform_indices = #map}, {transform_indices = #map1}, {transform_indices = #map}]} {
    %mul3A = arith.constant 2 : i32
    %mul3A_0 = arith.muli %arg1, %mul3A : i32
    %add3A = arith.addi %mul3A_0, %arg0 : i32
    %mul3A_1 = arith.constant 864 : i32
    %mul3A_2 = arith.muli %add3A, %mul3A_1 : i32
    %add3A_3 = arith.constant 0 : i32
    %add3A_4 = arith.addi %mul3A_2, %add3A_3 : i32
    "tpu.region"() ({
      %run_scoped3A = tpu.sem_alloc : memref<!tpu.dma_semaphore, #tpu.memory_space<semaphore_mem>>
      %dma_start3A_39 = tpu.memref_slice %arg3[%add3A_4] : memref<27648xi32, #tpu.memory_space<hbm>> -> memref<216xi32, #tpu.memory_space<hbm>>
      %dma_start3A_40 = tpu.memref_slice %arg3[%add3A_4] : memref<27648xi32, #tpu.memory_space<hbm>> -> memref<216xi32, #tpu.memory_space<hbm>>
      tpu.enqueue_dma source(%dma_start3A_40 : memref<216xi32, #tpu.memory_space<hbm>>) target(%arg5 : memref<216xi32, #tpu.memory_space<vmem>>) target_semaphore(%run_scoped3A : memref<!tpu.dma_semaphore, #tpu.memory_space<semaphore_mem>>)
      %dma_wait3A_41 = tpu.memref_slice %arg3[%add3A_4] : memref<27648xi32, #tpu.memory_space<hbm>> -> memref<216xi32, #tpu.memory_space<hbm>>
      %dma_wait3A_42 = tpu.memref_slice %arg3[%add3A_4] : memref<27648xi32, #tpu.memory_space<hbm>> -> memref<216xi32, #tpu.memory_space<hbm>>
      tpu.wait_dma2 semaphore(%run_scoped3A : memref<!tpu.dma_semaphore, #tpu.memory_space<semaphore_mem>>) src(%dma_wait3A_42 : memref<216xi32, #tpu.memory_space<hbm>>) dst(%arg5 : memref<216xi32, #tpu.memory_space<vmem>>)
      tpu.yield
    }) : () -> ()
    %dma_start3A = arith.constant 0 : i32
    %dma_start3A_5 = arith.constant 0 : i32
    %dma_start3A_6 = tpu.memref_slice %arg2[%dma_start3A, %dma_start3A_5] : memref<1024x256xf32, #tpu.memory_space<hbm>> -> memref<1024x256xf32, #tpu.memory_space<hbm>>
    tpu.enqueue_indirect_dma source(%dma_start3A_6 : memref<1024x256xf32, #tpu.memory_space<hbm>>) target(%arg6 : memref<216x256xf32, #tpu.memory_space<vmem>>) offsets(%arg5 : memref<216xi32, #tpu.memory_space<vmem>>) semaphore(%arg7 : memref<!tpu.dma_semaphore, #tpu.memory_space<semaphore_mem>>)
    %dma_wait3A = arith.constant 0 : i32
    %dma_wait3A_7 = arith.constant 0 : i32
    %dma_wait3A_8 = tpu.memref_slice %arg2[%dma_wait3A, %dma_wait3A_7] : memref<1024x256xf32, #tpu.memory_space<hbm>> -> memref<1024x256xf32, #tpu.memory_space<hbm>>
    tpu.wait_indirect_dma semaphore(%arg7 : memref<!tpu.dma_semaphore, #tpu.memory_space<semaphore_mem>>) src(%dma_wait3A_8 : memref<1024x256xf32, #tpu.memory_space<hbm>>) dst(%arg6 : memref<216x256xf32, #tpu.memory_space<vmem>>)
    "tpu.region"() ({
      %run_scoped3A = tpu.sem_alloc : memref<!tpu.dma_semaphore, #tpu.memory_space<semaphore_mem>>
      %dma_start3A_39 = arith.constant 0 : i32
      %dma_start3A_40 = tpu.memref_slice %arg4[%add3A_4, %dma_start3A_39] : memref<27648x256xf32, #tpu.memory_space<hbm>> -> memref<216x256xf32, #tpu.memory_space<hbm>>
      %dma_start3A_41 = arith.constant 0 : i32
      %dma_start3A_42 = tpu.memref_slice %arg4[%add3A_4, %dma_start3A_41] : memref<27648x256xf32, #tpu.memory_space<hbm>> -> memref<216x256xf32, #tpu.memory_space<hbm>>
      tpu.enqueue_dma source(%arg6 : memref<216x256xf32, #tpu.memory_space<vmem>>) target(%dma_start3A_42 : memref<216x256xf32, #tpu.memory_space<hbm>>) target_semaphore(%run_scoped3A : memref<!tpu.dma_semaphore, #tpu.memory_space<semaphore_mem>>)
      %dma_wait3A_43 = arith.constant 0 : i32
      %dma_wait3A_44 = tpu.memref_slice %arg4[%add3A_4, %dma_wait3A_43] : memref<27648x256xf32, #tpu.memory_space<hbm>> -> memref<216x256xf32, #tpu.memory_space<hbm>>
      %dma_wait3A_45 = arith.constant 0 : i32
      %dma_wait3A_46 = tpu.memref_slice %arg4[%add3A_4, %dma_wait3A_45] : memref<27648x256xf32, #tpu.memory_space<hbm>> -> memref<216x256xf32, #tpu.memory_space<hbm>>
      tpu.wait_dma2 semaphore(%run_scoped3A : memref<!tpu.dma_semaphore, #tpu.memory_space<semaphore_mem>>) src(%arg6 : memref<216x256xf32, #tpu.memory_space<vmem>>) dst(%dma_wait3A_46 : memref<216x256xf32, #tpu.memory_space<hbm>>)
      tpu.yield
    }) : () -> ()
    %mul3A_9 = arith.constant 864 : i32
    %mul3A_10 = arith.muli %add3A, %mul3A_9 : i32
    %add3A_11 = arith.constant 216 : i32
    %add3A_12 = arith.addi %mul3A_10, %add3A_11 : i32
    "tpu.region"() ({
      %run_scoped3A = tpu.sem_alloc : memref<!tpu.dma_semaphore, #tpu.memory_space<semaphore_mem>>
      %dma_start3A_39 = tpu.memref_slice %arg3[%add3A_12] : memref<27648xi32, #tpu.memory_space<hbm>> -> memref<216xi32, #tpu.memory_space<hbm>>
      %dma_start3A_40 = tpu.memref_slice %arg3[%add3A_12] : memref<27648xi32, #tpu.memory_space<hbm>> -> memref<216xi32, #tpu.memory_space<hbm>>
      tpu.enqueue_dma source(%dma_start3A_40 : memref<216xi32, #tpu.memory_space<hbm>>) target(%arg5 : memref<216xi32, #tpu.memory_space<vmem>>) target_semaphore(%run_scoped3A : memref<!tpu.dma_semaphore, #tpu.memory_space<semaphore_mem>>)
      %dma_wait3A_41 = tpu.memref_slice %arg3[%add3A_12] : memref<27648xi32, #tpu.memory_space<hbm>> -> memref<216xi32, #tpu.memory_space<hbm>>
      %dma_wait3A_42 = tpu.memref_slice %arg3[%add3A_12] : memref<27648xi32, #tpu.memory_space<hbm>> -> memref<216xi32, #tpu.memory_space<hbm>>
      tpu.wait_dma2 semaphore(%run_scoped3A : memref<!tpu.dma_semaphore, #tpu.memory_space<semaphore_mem>>) src(%dma_wait3A_42 : memref<216xi32, #tpu.memory_space<hbm>>) dst(%arg5 : memref<216xi32, #tpu.memory_space<vmem>>)
      tpu.yield
    }) : () -> ()
    %dma_start3A_13 = arith.constant 0 : i32
    %dma_start3A_14 = arith.constant 0 : i32
    %dma_start3A_15 = tpu.memref_slice %arg2[%dma_start3A_13, %dma_start3A_14] : memref<1024x256xf32, #tpu.memory_space<hbm>> -> memref<1024x256xf32, #tpu.memory_space<hbm>>
    tpu.enqueue_indirect_dma source(%dma_start3A_15 : memref<1024x256xf32, #tpu.memory_space<hbm>>) target(%arg6 : memref<216x256xf32, #tpu.memory_space<vmem>>) offsets(%arg5 : memref<216xi32, #tpu.memory_space<vmem>>) semaphore(%arg7 : memref<!tpu.dma_semaphore, #tpu.memory_space<semaphore_mem>>)
    %dma_wait3A_16 = arith.constant 0 : i32
    %dma_wait3A_17 = arith.constant 0 : i32
    %dma_wait3A_18 = tpu.memref_slice %arg2[%dma_wait3A_16, %dma_wait3A_17] : memref<1024x256xf32, #tpu.memory_space<hbm>> -> memref<1024x256xf32, #tpu.memory_space<hbm>>
    tpu.wait_indirect_dma semaphore(%arg7 : memref<!tpu.dma_semaphore, #tpu.memory_space<semaphore_mem>>) src(%dma_wait3A_18 : memref<1024x256xf32, #tpu.memory_space<hbm>>) dst(%arg6 : memref<216x256xf32, #tpu.memory_space<vmem>>)
    "tpu.region"() ({
      %run_scoped3A = tpu.sem_alloc : memref<!tpu.dma_semaphore, #tpu.memory_space<semaphore_mem>>
      %dma_start3A_39 = arith.constant 0 : i32
      %dma_start3A_40 = tpu.memref_slice %arg4[%add3A_12, %dma_start3A_39] : memref<27648x256xf32, #tpu.memory_space<hbm>> -> memref<216x256xf32, #tpu.memory_space<hbm>>
      %dma_start3A_41 = arith.constant 0 : i32
      %dma_start3A_42 = tpu.memref_slice %arg4[%add3A_12, %dma_start3A_41] : memref<27648x256xf32, #tpu.memory_space<hbm>> -> memref<216x256xf32, #tpu.memory_space<hbm>>
      tpu.enqueue_dma source(%arg6 : memref<216x256xf32, #tpu.memory_space<vmem>>) target(%dma_start3A_42 : memref<216x256xf32, #tpu.memory_space<hbm>>) target_semaphore(%run_scoped3A : memref<!tpu.dma_semaphore, #tpu.memory_space<semaphore_mem>>)
      %dma_wait3A_43 = arith.constant 0 : i32
      %dma_wait3A_44 = tpu.memref_slice %arg4[%add3A_12, %dma_wait3A_43] : memref<27648x256xf32, #tpu.memory_space<hbm>> -> memref<216x256xf32, #tpu.memory_space<hbm>>
      %dma_wait3A_45 = arith.constant 0 : i32
      %dma_wait3A_46 = tpu.memref_slice %arg4[%add3A_12, %dma_wait3A_45] : memref<27648x256xf32, #tpu.memory_space<hbm>> -> memref<216x256xf32, #tpu.memory_space<hbm>>
      tpu.wait_dma2 semaphore(%run_scoped3A : memref<!tpu.dma_semaphore, #tpu.memory_space<semaphore_mem>>) src(%arg6 : memref<216x256xf32, #tpu.memory_space<vmem>>) dst(%dma_wait3A_46 : memref<216x256xf32, #tpu.memory_space<hbm>>)
      tpu.yield
    }) : () -> ()
    %mul3A_19 = arith.constant 864 : i32
    %mul3A_20 = arith.muli %add3A, %mul3A_19 : i32
    %add3A_21 = arith.constant 432 : i32
    %add3A_22 = arith.addi %mul3A_20, %add3A_21 : i32
    "tpu.region"() ({
      %run_scoped3A = tpu.sem_alloc : memref<!tpu.dma_semaphore, #tpu.memory_space<semaphore_mem>>
      %dma_start3A_39 = tpu.memref_slice %arg3[%add3A_22] : memref<27648xi32, #tpu.memory_space<hbm>> -> memref<216xi32, #tpu.memory_space<hbm>>
      %dma_start3A_40 = tpu.memref_slice %arg3[%add3A_22] : memref<27648xi32, #tpu.memory_space<hbm>> -> memref<216xi32, #tpu.memory_space<hbm>>
      tpu.enqueue_dma source(%dma_start3A_40 : memref<216xi32, #tpu.memory_space<hbm>>) target(%arg5 : memref<216xi32, #tpu.memory_space<vmem>>) target_semaphore(%run_scoped3A : memref<!tpu.dma_semaphore, #tpu.memory_space<semaphore_mem>>)
      %dma_wait3A_41 = tpu.memref_slice %arg3[%add3A_22] : memref<27648xi32, #tpu.memory_space<hbm>> -> memref<216xi32, #tpu.memory_space<hbm>>
      %dma_wait3A_42 = tpu.memref_slice %arg3[%add3A_22] : memref<27648xi32, #tpu.memory_space<hbm>> -> memref<216xi32, #tpu.memory_space<hbm>>
      tpu.wait_dma2 semaphore(%run_scoped3A : memref<!tpu.dma_semaphore, #tpu.memory_space<semaphore_mem>>) src(%dma_wait3A_42 : memref<216xi32, #tpu.memory_space<hbm>>) dst(%arg5 : memref<216xi32, #tpu.memory_space<vmem>>)
      tpu.yield
    }) : () -> ()
    %dma_start3A_23 = arith.constant 0 : i32
    %dma_start3A_24 = arith.constant 0 : i32
    %dma_start3A_25 = tpu.memref_slice %arg2[%dma_start3A_23, %dma_start3A_24] : memref<1024x256xf32, #tpu.memory_space<hbm>> -> memref<1024x256xf32, #tpu.memory_space<hbm>>
    tpu.enqueue_indirect_dma source(%dma_start3A_25 : memref<1024x256xf32, #tpu.memory_space<hbm>>) target(%arg6 : memref<216x256xf32, #tpu.memory_space<vmem>>) offsets(%arg5 : memref<216xi32, #tpu.memory_space<vmem>>) semaphore(%arg7 : memref<!tpu.dma_semaphore, #tpu.memory_space<semaphore_mem>>)
    %dma_wait3A_26 = arith.constant 0 : i32
    %dma_wait3A_27 = arith.constant 0 : i32
    %dma_wait3A_28 = tpu.memref_slice %arg2[%dma_wait3A_26, %dma_wait3A_27] : memref<1024x256xf32, #tpu.memory_space<hbm>> -> memref<1024x256xf32, #tpu.memory_space<hbm>>
    tpu.wait_indirect_dma semaphore(%arg7 : memref<!tpu.dma_semaphore, #tpu.memory_space<semaphore_mem>>) src(%dma_wait3A_28 : memref<1024x256xf32, #tpu.memory_space<hbm>>) dst(%arg6 : memref<216x256xf32, #tpu.memory_space<vmem>>)
    "tpu.region"() ({
      %run_scoped3A = tpu.sem_alloc : memref<!tpu.dma_semaphore, #tpu.memory_space<semaphore_mem>>
      %dma_start3A_39 = arith.constant 0 : i32
      %dma_start3A_40 = tpu.memref_slice %arg4[%add3A_22, %dma_start3A_39] : memref<27648x256xf32, #tpu.memory_space<hbm>> -> memref<216x256xf32, #tpu.memory_space<hbm>>
      %dma_start3A_41 = arith.constant 0 : i32
      %dma_start3A_42 = tpu.memref_slice %arg4[%add3A_22, %dma_start3A_41] : memref<27648x256xf32, #tpu.memory_space<hbm>> -> memref<216x256xf32, #tpu.memory_space<hbm>>
      tpu.enqueue_dma source(%arg6 : memref<216x256xf32, #tpu.memory_space<vmem>>) target(%dma_start3A_42 : memref<216x256xf32, #tpu.memory_space<hbm>>) target_semaphore(%run_scoped3A : memref<!tpu.dma_semaphore, #tpu.memory_space<semaphore_mem>>)
      %dma_wait3A_43 = arith.constant 0 : i32
      %dma_wait3A_44 = tpu.memref_slice %arg4[%add3A_22, %dma_wait3A_43] : memref<27648x256xf32, #tpu.memory_space<hbm>> -> memref<216x256xf32, #tpu.memory_space<hbm>>
      %dma_wait3A_45 = arith.constant 0 : i32
      %dma_wait3A_46 = tpu.memref_slice %arg4[%add3A_22, %dma_wait3A_45] : memref<27648x256xf32, #tpu.memory_space<hbm>> -> memref<216x256xf32, #tpu.memory_space<hbm>>
      tpu.wait_dma2 semaphore(%run_scoped3A : memref<!tpu.dma_semaphore, #tpu.memory_space<semaphore_mem>>) src(%arg6 : memref<216x256xf32, #tpu.memory_space<vmem>>) dst(%dma_wait3A_46 : memref<216x256xf32, #tpu.memory_space<hbm>>)
      tpu.yield
    }) : () -> ()
    %mul3A_29 = arith.constant 864 : i32
    %mul3A_30 = arith.muli %add3A, %mul3A_29 : i32
    %add3A_31 = arith.constant 648 : i32
    %add3A_32 = arith.addi %mul3A_30, %add3A_31 : i32
    "tpu.region"() ({
      %run_scoped3A = tpu.sem_alloc : memref<!tpu.dma_semaphore, #tpu.memory_space<semaphore_mem>>
      %dma_start3A_39 = tpu.memref_slice %arg3[%add3A_32] : memref<27648xi32, #tpu.memory_space<hbm>> -> memref<216xi32, #tpu.memory_space<hbm>>
      %dma_start3A_40 = tpu.memref_slice %arg3[%add3A_32] : memref<27648xi32, #tpu.memory_space<hbm>> -> memref<216xi32, #tpu.memory_space<hbm>>
      tpu.enqueue_dma source(%dma_start3A_40 : memref<216xi32, #tpu.memory_space<hbm>>) target(%arg5 : memref<216xi32, #tpu.memory_space<vmem>>) target_semaphore(%run_scoped3A : memref<!tpu.dma_semaphore, #tpu.memory_space<semaphore_mem>>)
      %dma_wait3A_41 = tpu.memref_slice %arg3[%add3A_32] : memref<27648xi32, #tpu.memory_space<hbm>> -> memref<216xi32, #tpu.memory_space<hbm>>
      %dma_wait3A_42 = tpu.memref_slice %arg3[%add3A_32] : memref<27648xi32, #tpu.memory_space<hbm>> -> memref<216xi32, #tpu.memory_space<hbm>>
      tpu.wait_dma2 semaphore(%run_scoped3A : memref<!tpu.dma_semaphore, #tpu.memory_space<semaphore_mem>>) src(%dma_wait3A_42 : memref<216xi32, #tpu.memory_space<hbm>>) dst(%arg5 : memref<216xi32, #tpu.memory_space<vmem>>)
      tpu.yield
    }) : () -> ()
    %dma_start3A_33 = arith.constant 0 : i32
    %dma_start3A_34 = arith.constant 0 : i32
    %dma_start3A_35 = tpu.memref_slice %arg2[%dma_start3A_33, %dma_start3A_34] : memref<1024x256xf32, #tpu.memory_space<hbm>> -> memref<1024x256xf32, #tpu.memory_space<hbm>>
    tpu.enqueue_indirect_dma source(%dma_start3A_35 : memref<1024x256xf32, #tpu.memory_space<hbm>>) target(%arg6 : memref<216x256xf32, #tpu.memory_space<vmem>>) offsets(%arg5 : memref<216xi32, #tpu.memory_space<vmem>>) semaphore(%arg7 : memref<!tpu.dma_semaphore, #tpu.memory_space<semaphore_mem>>)
    %dma_wait3A_36 = arith.constant 0 : i32
    %dma_wait3A_37 = arith.constant 0 : i32
    %dma_wait3A_38 = tpu.memref_slice %arg2[%dma_wait3A_36, %dma_wait3A_37] : memref<1024x256xf32, #tpu.memory_space<hbm>> -> memref<1024x256xf32, #tpu.memory_space<hbm>>
    tpu.wait_indirect_dma semaphore(%arg7 : memref<!tpu.dma_semaphore, #tpu.memory_space<semaphore_mem>>) src(%dma_wait3A_38 : memref<1024x256xf32, #tpu.memory_space<hbm>>) dst(%arg6 : memref<216x256xf32, #tpu.memory_space<vmem>>)
    "tpu.region"() ({
      %run_scoped3A = tpu.sem_alloc : memref<!tpu.dma_semaphore, #tpu.memory_space<semaphore_mem>>
      %dma_start3A_39 = arith.constant 0 : i32
      %dma_start3A_40 = tpu.memref_slice %arg4[%add3A_32, %dma_start3A_39] : memref<27648x256xf32, #tpu.memory_space<hbm>> -> memref<216x256xf32, #tpu.memory_space<hbm>>
      %dma_start3A_41 = arith.constant 0 : i32
      %dma_start3A_42 = tpu.memref_slice %arg4[%add3A_32, %dma_start3A_41] : memref<27648x256xf32, #tpu.memory_space<hbm>> -> memref<216x256xf32, #tpu.memory_space<hbm>>
      tpu.enqueue_dma source(%arg6 : memref<216x256xf32, #tpu.memory_space<vmem>>) target(%dma_start3A_42 : memref<216x256xf32, #tpu.memory_space<hbm>>) target_semaphore(%run_scoped3A : memref<!tpu.dma_semaphore, #tpu.memory_space<semaphore_mem>>)
      %dma_wait3A_43 = arith.constant 0 : i32
      %dma_wait3A_44 = tpu.memref_slice %arg4[%add3A_32, %dma_wait3A_43] : memref<27648x256xf32, #tpu.memory_space<hbm>> -> memref<216x256xf32, #tpu.memory_space<hbm>>
      %dma_wait3A_45 = arith.constant 0 : i32
      %dma_wait3A_46 = tpu.memref_slice %arg4[%add3A_32, %dma_wait3A_45] : memref<27648x256xf32, #tpu.memory_space<hbm>> -> memref<216x256xf32, #tpu.memory_space<hbm>>
      tpu.wait_dma2 semaphore(%run_scoped3A : memref<!tpu.dma_semaphore, #tpu.memory_space<semaphore_mem>>) src(%arg6 : memref<216x256xf32, #tpu.memory_space<vmem>>) dst(%dma_wait3A_46 : memref<216x256xf32, #tpu.memory_space<hbm>>)
      tpu.yield
    }) : () -> ()
    return
  }
}

module attributes {stable_mosaic.version = 14 : i64} {
  func.func @_topc_kernel(%arg0: i32, %arg1: memref<512x256xf32, #tpu.memory_space<vmem>>, %arg2: memref<1024x256xf32, #tpu.memory_space<vmem>>, %arg3: memref<1x512x6xi32, #tpu.memory_space<vmem>>, %arg4: memref<1x1024xf32, #tpu.memory_space<vmem>>) attributes {dimension_semantics = [#tpu.dimension_semantics<arbitrary>], iteration_bounds = array<i64: 9>, scalar_prefetch = 0 : i64, scratch_operands = 1 : i64, tpu.core_type = #tpu.core_type<tc>, window_params = [{transform_indices = @transform_0, window_bounds = array<i64: 512, 256>}, {pipeline_mode = #tpu.pipeline_mode<synchronous>, transform_indices = @transform_1, window_bounds = array<i64: 1024, 256>}, {transform_indices = @transform_2, window_bounds = array<i64: 1, 512, 6>}]} {
    %eq3A = arith.constant 0 : i32
    %eq3A_0 = arith.cmpi eq, %arg0, %eq3A : i32
    %convert_element_type3A = arith.extui %eq3A_0 : i1 to i32
    %cond3A = arith.constant 0 : i32
    %cond3A_1 = arith.cmpi ne, %convert_element_type3A, %cond3A : i32
    scf.if %cond3A_1 {
      %get3A_55 = arith.constant 0 : index
      %get3A_56 = arith.constant 0 : index
      %get3A_57 = vector.load %arg2[%get3A_55, %get3A_56] : memref<1024x256xf32, #tpu.memory_space<vmem>>, vector<1024x256xf32>
      %mul3A = arith.mulf %get3A_57, %get3A_57 : vector<1024x256xf32>
      %reduce_sum3A = arith.constant dense<0.000000e+00> : vector<1024xf32>
      %reduce_sum3A_58 = vector.multi_reduction <add>, %mul3A, %reduce_sum3A [1] : vector<1024x256xf32> to vector<1024xf32>
      %broadcast_in_dim3A_59 = vector.shape_cast %reduce_sum3A_58 : vector<1024xf32> to vector<1024x1xf32>
      %transpose3A = tpu.transpose %broadcast_in_dim3A_59, [1, 0] : vector<1024x1xf32> -> vector<1x1024xf32>
      %swap3A_60 = arith.constant 0 : index
      %swap3A_61 = arith.constant 0 : index
      %swap3A_62 = vector.load %arg4[%swap3A_60, %swap3A_61] : memref<1x1024xf32, #tpu.memory_space<vmem>>, vector<1x1024xf32>
      tpu.vector_store %arg4[%swap3A_60, %swap3A_61], %transpose3A {strides = array<i32>} : memref<1x1024xf32, #tpu.memory_space<vmem>>, vector<1x1024xf32>,
    } else {
    }
    %get3A = arith.constant 0 : index
    %get3A_2 = arith.constant 0 : index
    %get3A_3 = vector.load %arg1[%get3A, %get3A_2] : memref<512x256xf32, #tpu.memory_space<vmem>>, vector<512x256xf32>
    %get3A_4 = arith.constant 0 : index
    %get3A_5 = arith.constant 0 : index
    %get3A_6 = vector.load %arg2[%get3A_4, %get3A_5] : memref<1024x256xf32, #tpu.memory_space<vmem>>, vector<1024x256xf32>
    %dot_general3A = arith.constant dense<0.000000e+00> : vector<512x1024xf32>
    %dot_general3A_7 = tpu.matmul %get3A_3, %get3A_6, %dot_general3A {dimension_numbers = #tpu.dot_dimension_numbers<[1], [1], [0], [0], [0, 0, 1, 0], [], []>, precision = #tpu.contract_precision<fp32>, transpose_lhs_hint = false} : vector<512x256xf32>, vector<1024x256xf32>, vector<512x1024xf32> -> vector<512x1024xf32>
    %get3A_8 = arith.constant 0 : index
    %get3A_9 = arith.constant 0 : index
    %get3A_10 = vector.load %arg4[%get3A_8, %get3A_9] : memref<1x1024xf32, #tpu.memory_space<vmem>>, vector<1x1024xf32>
    %add3A = arith.addf %dot_general3A_7, %dot_general3A_7 : vector<512x1024xf32>
    %sub3A = vector.broadcast %get3A_10 : vector<1x1024xf32> to vector<512x1024xf32>
    %sub3A_11 = arith.subf %sub3A, %add3A : vector<512x1024xf32>
    %iota3A = tpu.iota {dimensions = array<i32: 1>} : vector<512x1024xi32>
    %argmin3A = tpu.reduce_index %sub3A_11 {axis = 1 : i32, kind = #tpu.reduction_kind<arg_min>} : vector<512x1024xf32> -> vector<512xi32>
    %broadcast_in_dim3A = vector.shape_cast %argmin3A : vector<512xi32> to vector<512x1xi32>
    %eq3A_12 = vector.broadcast %broadcast_in_dim3A : vector<512x1xi32> to vector<512x1024xi32>
    %eq3A_13 = arith.cmpi eq, %iota3A, %eq3A_12 : vector<512x1024xi32>
    %jit3A = arith.constant 0x7F800000 : f32
    %broadcast_in_dim3A_14 = vector.broadcast %jit3A : f32 to vector<512x1024xf32>
    %select_n3A = arith.select %eq3A_13, %broadcast_in_dim3A_14, %sub3A_11 : vector<512x1024xi1>, vector<512x1024xf32>
    %argmin3A_15 = tpu.reduce_index %select_n3A {axis = 1 : i32, kind = #tpu.reduction_kind<arg_min>} : vector<512x1024xf32> -> vector<512xi32>
    %broadcast_in_dim3A_16 = vector.shape_cast %argmin3A_15 : vector<512xi32> to vector<512x1xi32>
    %eq3A_17 = vector.broadcast %broadcast_in_dim3A_16 : vector<512x1xi32> to vector<512x1024xi32>
    %eq3A_18 = arith.cmpi eq, %iota3A, %eq3A_17 : vector<512x1024xi32>
    %jit3A_19 = arith.constant 0x7F800000 : f32
    %broadcast_in_dim3A_20 = vector.broadcast %jit3A_19 : f32 to vector<512x1024xf32>
    %select_n3A_21 = arith.select %eq3A_18, %broadcast_in_dim3A_20, %select_n3A : vector<512x1024xi1>, vector<512x1024xf32>
    %argmin3A_22 = tpu.reduce_index %select_n3A_21 {axis = 1 : i32, kind = #tpu.reduction_kind<arg_min>} : vector<512x1024xf32> -> vector<512xi32>
    %broadcast_in_dim3A_23 = vector.shape_cast %argmin3A_22 : vector<512xi32> to vector<512x1xi32>
    %eq3A_24 = vector.broadcast %broadcast_in_dim3A_23 : vector<512x1xi32> to vector<512x1024xi32>
    %eq3A_25 = arith.cmpi eq, %iota3A, %eq3A_24 : vector<512x1024xi32>
    %jit3A_26 = arith.constant 0x7F800000 : f32
    %broadcast_in_dim3A_27 = vector.broadcast %jit3A_26 : f32 to vector<512x1024xf32>
    %select_n3A_28 = arith.select %eq3A_25, %broadcast_in_dim3A_27, %select_n3A_21 : vector<512x1024xi1>, vector<512x1024xf32>
    %argmin3A_29 = tpu.reduce_index %select_n3A_28 {axis = 1 : i32, kind = #tpu.reduction_kind<arg_min>} : vector<512x1024xf32> -> vector<512xi32>
    %broadcast_in_dim3A_30 = vector.shape_cast %argmin3A_29 : vector<512xi32> to vector<512x1xi32>
    %eq3A_31 = vector.broadcast %broadcast_in_dim3A_30 : vector<512x1xi32> to vector<512x1024xi32>
    %eq3A_32 = arith.cmpi eq, %iota3A, %eq3A_31 : vector<512x1024xi32>
    %jit3A_33 = arith.constant 0x7F800000 : f32
    %broadcast_in_dim3A_34 = vector.broadcast %jit3A_33 : f32 to vector<512x1024xf32>
    %select_n3A_35 = arith.select %eq3A_32, %broadcast_in_dim3A_34, %select_n3A_28 : vector<512x1024xi1>, vector<512x1024xf32>
    %argmin3A_36 = tpu.reduce_index %select_n3A_35 {axis = 1 : i32, kind = #tpu.reduction_kind<arg_min>} : vector<512x1024xf32> -> vector<512xi32>
    %broadcast_in_dim3A_37 = vector.shape_cast %argmin3A_36 : vector<512xi32> to vector<512x1xi32>
    %eq3A_38 = vector.broadcast %broadcast_in_dim3A_37 : vector<512x1xi32> to vector<512x1024xi32>
    %eq3A_39 = arith.cmpi eq, %iota3A, %eq3A_38 : vector<512x1024xi32>
    %jit3A_40 = arith.constant 0x7F800000 : f32
    %broadcast_in_dim3A_41 = vector.broadcast %jit3A_40 : f32 to vector<512x1024xf32>
    %select_n3A_42 = arith.select %eq3A_39, %broadcast_in_dim3A_41, %select_n3A_35 : vector<512x1024xi1>, vector<512x1024xf32>
    %argmin3A_43 = tpu.reduce_index %select_n3A_42 {axis = 1 : i32, kind = #tpu.reduction_kind<arg_min>} : vector<512x1024xf32> -> vector<512xi32>
    %stack3A = vector.shape_cast %argmin3A : vector<512xi32> to vector<512x1xi32>
    %stack3A_44 = vector.shape_cast %argmin3A_15 : vector<512xi32> to vector<512x1xi32>
    %stack3A_45 = vector.shape_cast %argmin3A_22 : vector<512xi32> to vector<512x1xi32>
    %stack3A_46 = vector.shape_cast %argmin3A_29 : vector<512xi32> to vector<512x1xi32>
    %stack3A_47 = vector.shape_cast %argmin3A_36 : vector<512xi32> to vector<512x1xi32>
    %stack3A_48 = vector.shape_cast %argmin3A_43 : vector<512xi32> to vector<512x1xi32>
    %stack3A_49 = tpu.concatenate %stack3A, %stack3A_44, %stack3A_45, %stack3A_46, %stack3A_47, %stack3A_48 in 1 : vector<512x1xi32>, vector<512x1xi32>, vector<512x1xi32>, vector<512x1xi32>, vector<512x1xi32>, vector<512x1xi32> -> vector<512x6xi32>
    %swap3A = arith.constant 0 : index
    %swap3A_50 = arith.constant 0 : index
    %swap3A_51 = arith.constant 0 : index
    %swap3A_52 = vector.load %arg3[%swap3A, %swap3A_50, %swap3A_51] : memref<1x512x6xi32, #tpu.memory_space<vmem>>, vector<1x512x6xi32>
    %swap3A_53 = vector.shape_cast %swap3A_52 : vector<1x512x6xi32> to vector<512x6xi32>
    %swap3A_54 = vector.shape_cast %stack3A_49 : vector<512x6xi32> to vector<1x512x6xi32>
    tpu.vector_store %arg3[%swap3A, %swap3A_50, %swap3A_51], %swap3A_54 {strides = array<i32>} : memref<1x512x6xi32, #tpu.memory_space<vmem>>, vector<1x512x6xi32>,
    return
  }
  func.func @transform_0(%arg0: i32) -> (i32, i32) {
    %c0_i32 = arith.constant 0 : i32
    %c0_i32_0 = arith.constant 0 : i32
    return %arg0, %c0_i32 : i32, i32
  }
  func.func @transform_1(%arg0: i32) -> (i32, i32) {
    %c0_i32 = arith.constant 0 : i32
    %c0_i32_0 = arith.constant 0 : i32
    %c0_i32_1 = arith.constant 0 : i32
    return %c0_i32, %c0_i32_0 : i32, i32
  }
  func.func @transform_2(%arg0: i32) -> (i32, i32, i32) {
    %c0_i32 = arith.constant 0 : i32
    %c0_i32_0 = arith.constant 0 : i32
    %c0_i32_1 = arith.constant 0 : i32
    return %arg0, %c0_i32, %c0_i32_0 : i32, i32, i32
  }
}

module attributes {stable_mosaic.version = 14 : i64} {
  func.func @_select_kernel(%arg0: i32, %arg1: memref<512x256xf32, #tpu.memory_space<vmem>>, %arg2: memref<512x6x256xf32, #tpu.memory_space<vmem>>, %arg3: memref<512x6xi32, #tpu.memory_space<vmem>>, %arg4: memref<512x256xf32, #tpu.memory_space<vmem>>, %arg5: memref<1x1x512xf32, #tpu.memory_space<vmem>>, %arg6: memref<8x128xf32, #tpu.memory_space<vmem>>, %arg7: memref<1x1xf32, #tpu.memory_space<smem>>) attributes {dimension_semantics = [#tpu.dimension_semantics<arbitrary>], iteration_bounds = array<i64: 9>, scalar_prefetch = 0 : i64, scratch_operands = 0 : i64, tpu.core_type = #tpu.core_type<tc>, window_params = [{transform_indices = @transform_0, window_bounds = array<i64: 512, 256>}, {transform_indices = @transform_1, window_bounds = array<i64: 512, 6, 256>}, {transform_indices = @transform_2, window_bounds = array<i64: 512, 6>}, {transform_indices = @transform_3, window_bounds = array<i64: 512, 256>}, {transform_indices = @transform_4, window_bounds = array<i64: 1, 1, 512>}, {pipeline_mode = #tpu.pipeline_mode<synchronous>, transform_indices = @transform_5, window_bounds = array<i64: 8, 128>}, {transform_indices = @transform_6, window_bounds = array<i64: 1, 1>}]} {
    %get3A = arith.constant 0 : index
    %get3A_0 = arith.constant 0 : index
    %get3A_1 = vector.load %arg1[%get3A, %get3A_0] : memref<512x256xf32, #tpu.memory_space<vmem>>, vector<512x256xf32>
    %transpose3A = tpu.transpose %get3A_1, [1, 0] : vector<512x256xf32> -> vector<256x512xf32>
    %get3A_2 = arith.constant 0 : index
    %get3A_3 = arith.constant 0 : index
    %get3A_4 = vector.load %arg3[%get3A_2, %get3A_3] : memref<512x6xi32, #tpu.memory_space<vmem>>, vector<512x6xi32>
    %transpose3A_5 = tpu.transpose %get3A_4, [1, 0] : vector<512x6xi32> -> vector<6x512xi32>
    %get3A_6 = arith.constant 0 : index
    %get3A_7 = arith.constant 0 : index
    %get3A_8 = arith.constant 0 : index
    %get3A_9 = vector.load %arg2[%get3A_6, %get3A_7, %get3A_8] : memref<512x6x256xf32, #tpu.memory_space<vmem>>, vector<512x1x256xf32>
    %get3A_10 = vector.shape_cast %get3A_9 : vector<512x1x256xf32> to vector<512x256xf32>
    %transpose3A_11 = tpu.transpose %get3A_10, [1, 0] : vector<512x256xf32> -> vector<256x512xf32>
    %sub3A = arith.subf %transpose3A, %transpose3A_11 : vector<256x512xf32>
    %mul3A = arith.mulf %sub3A, %sub3A : vector<256x512xf32>
    %slice3A = vector.extract_strided_slice %mul3A {offsets = [0, 0], sizes = [128, 512], strides = [1, 1]} : vector<256x512xf32> to vector<128x512xf32>
    %slice3A_12 = vector.extract_strided_slice %mul3A {offsets = [128, 0], sizes = [128, 512], strides = [1, 1]} : vector<256x512xf32> to vector<128x512xf32>
    %add3A = arith.addf %slice3A, %slice3A_12 : vector<128x512xf32>
    %reshape3A = vector.shape_cast %add3A : vector<128x512xf32> to vector<16x8x512xf32>
    %slice3A_13 = vector.extract_strided_slice %reshape3A {offsets = [0, 0, 0], sizes = [1, 8, 512], strides = [1, 1, 1]} : vector<16x8x512xf32> to vector<1x8x512xf32>
    %squeeze3A = vector.shape_cast %slice3A_13 : vector<1x8x512xf32> to vector<8x512xf32>
    %slice3A_14 = vector.extract_strided_slice %reshape3A {offsets = [1, 0, 0], sizes = [1, 8, 512], strides = [1, 1, 1]} : vector<16x8x512xf32> to vector<1x8x512xf32>
    %squeeze3A_15 = vector.shape_cast %slice3A_14 : vector<1x8x512xf32> to vector<8x512xf32>
    %add3A_16 = arith.addf %squeeze3A, %squeeze3A_15 : vector<8x512xf32>
    %slice3A_17 = vector.extract_strided_slice %reshape3A {offsets = [2, 0, 0], sizes = [1, 8, 512], strides = [1, 1, 1]} : vector<16x8x512xf32> to vector<1x8x512xf32>
    %squeeze3A_18 = vector.shape_cast %slice3A_17 : vector<1x8x512xf32> to vector<8x512xf32>
    %add3A_19 = arith.addf %add3A_16, %squeeze3A_18 : vector<8x512xf32>
    %slice3A_20 = vector.extract_strided_slice %reshape3A {offsets = [3, 0, 0], sizes = [1, 8, 512], strides = [1, 1, 1]} : vector<16x8x512xf32> to vector<1x8x512xf32>
    %squeeze3A_21 = vector.shape_cast %slice3A_20 : vector<1x8x512xf32> to vector<8x512xf32>
    %add3A_22 = arith.addf %add3A_19, %squeeze3A_21 : vector<8x512xf32>
    %slice3A_23 = vector.extract_strided_slice %reshape3A {offsets = [4, 0, 0], sizes = [1, 8, 512], strides = [1, 1, 1]} : vector<16x8x512xf32> to vector<1x8x512xf32>
    %squeeze3A_24 = vector.shape_cast %slice3A_23 : vector<1x8x512xf32> to vector<8x512xf32>
    %add3A_25 = arith.addf %add3A_22, %squeeze3A_24 : vector<8x512xf32>
    %slice3A_26 = vector.extract_strided_slice %reshape3A {offsets = [5, 0, 0], sizes = [1, 8, 512], strides = [1, 1, 1]} : vector<16x8x512xf32> to vector<1x8x512xf32>
    %squeeze3A_27 = vector.shape_cast %slice3A_26 : vector<1x8x512xf32> to vector<8x512xf32>
    %add3A_28 = arith.addf %add3A_25, %squeeze3A_27 : vector<8x512xf32>
    %slice3A_29 = vector.extract_strided_slice %reshape3A {offsets = [6, 0, 0], sizes = [1, 8, 512], strides = [1, 1, 1]} : vector<16x8x512xf32> to vector<1x8x512xf32>
    %squeeze3A_30 = vector.shape_cast %slice3A_29 : vector<1x8x512xf32> to vector<8x512xf32>
    %add3A_31 = arith.addf %add3A_28, %squeeze3A_30 : vector<8x512xf32>
    %slice3A_32 = vector.extract_strided_slice %reshape3A {offsets = [7, 0, 0], sizes = [1, 8, 512], strides = [1, 1, 1]} : vector<16x8x512xf32> to vector<1x8x512xf32>
    %squeeze3A_33 = vector.shape_cast %slice3A_32 : vector<1x8x512xf32> to vector<8x512xf32>
    %add3A_34 = arith.addf %add3A_31, %squeeze3A_33 : vector<8x512xf32>
    %slice3A_35 = vector.extract_strided_slice %reshape3A {offsets = [8, 0, 0], sizes = [1, 8, 512], strides = [1, 1, 1]} : vector<16x8x512xf32> to vector<1x8x512xf32>
    %squeeze3A_36 = vector.shape_cast %slice3A_35 : vector<1x8x512xf32> to vector<8x512xf32>
    %add3A_37 = arith.addf %add3A_34, %squeeze3A_36 : vector<8x512xf32>
    %slice3A_38 = vector.extract_strided_slice %reshape3A {offsets = [9, 0, 0], sizes = [1, 8, 512], strides = [1, 1, 1]} : vector<16x8x512xf32> to vector<1x8x512xf32>
    %squeeze3A_39 = vector.shape_cast %slice3A_38 : vector<1x8x512xf32> to vector<8x512xf32>
    %add3A_40 = arith.addf %add3A_37, %squeeze3A_39 : vector<8x512xf32>
    %slice3A_41 = vector.extract_strided_slice %reshape3A {offsets = [10, 0, 0], sizes = [1, 8, 512], strides = [1, 1, 1]} : vector<16x8x512xf32> to vector<1x8x512xf32>
    %squeeze3A_42 = vector.shape_cast %slice3A_41 : vector<1x8x512xf32> to vector<8x512xf32>
    %add3A_43 = arith.addf %add3A_40, %squeeze3A_42 : vector<8x512xf32>
    %slice3A_44 = vector.extract_strided_slice %reshape3A {offsets = [11, 0, 0], sizes = [1, 8, 512], strides = [1, 1, 1]} : vector<16x8x512xf32> to vector<1x8x512xf32>
    %squeeze3A_45 = vector.shape_cast %slice3A_44 : vector<1x8x512xf32> to vector<8x512xf32>
    %add3A_46 = arith.addf %add3A_43, %squeeze3A_45 : vector<8x512xf32>
    %slice3A_47 = vector.extract_strided_slice %reshape3A {offsets = [12, 0, 0], sizes = [1, 8, 512], strides = [1, 1, 1]} : vector<16x8x512xf32> to vector<1x8x512xf32>
    %squeeze3A_48 = vector.shape_cast %slice3A_47 : vector<1x8x512xf32> to vector<8x512xf32>
    %add3A_49 = arith.addf %add3A_46, %squeeze3A_48 : vector<8x512xf32>
    %slice3A_50 = vector.extract_strided_slice %reshape3A {offsets = [13, 0, 0], sizes = [1, 8, 512], strides = [1, 1, 1]} : vector<16x8x512xf32> to vector<1x8x512xf32>
    %squeeze3A_51 = vector.shape_cast %slice3A_50 : vector<1x8x512xf32> to vector<8x512xf32>
    %add3A_52 = arith.addf %add3A_49, %squeeze3A_51 : vector<8x512xf32>
    %slice3A_53 = vector.extract_strided_slice %reshape3A {offsets = [14, 0, 0], sizes = [1, 8, 512], strides = [1, 1, 1]} : vector<16x8x512xf32> to vector<1x8x512xf32>
    %squeeze3A_54 = vector.shape_cast %slice3A_53 : vector<1x8x512xf32> to vector<8x512xf32>
    %add3A_55 = arith.addf %add3A_52, %squeeze3A_54 : vector<8x512xf32>
    %slice3A_56 = vector.extract_strided_slice %reshape3A {offsets = [15, 0, 0], sizes = [1, 8, 512], strides = [1, 1, 1]} : vector<16x8x512xf32> to vector<1x8x512xf32>
    %squeeze3A_57 = vector.shape_cast %slice3A_56 : vector<1x8x512xf32> to vector<8x512xf32>
    %add3A_58 = arith.addf %add3A_55, %squeeze3A_57 : vector<8x512xf32>
    %slice3A_59 = vector.extract_strided_slice %add3A_58 {offsets = [0, 0], sizes = [4, 512], strides = [1, 1]} : vector<8x512xf32> to vector<4x512xf32>
    %slice3A_60 = vector.extract_strided_slice %add3A_58 {offsets = [4, 0], sizes = [4, 512], strides = [1, 1]} : vector<8x512xf32> to vector<4x512xf32>
    %add3A_61 = arith.addf %slice3A_59, %slice3A_60 : vector<4x512xf32>
    %slice3A_62 = vector.extract_strided_slice %add3A_61 {offsets = [0, 0], sizes = [2, 512], strides = [1, 1]} : vector<4x512xf32> to vector<2x512xf32>
    %slice3A_63 = vector.extract_strided_slice %add3A_61 {offsets = [2, 0], sizes = [2, 512], strides = [1, 1]} : vector<4x512xf32> to vector<2x512xf32>
    %add3A_64 = arith.addf %slice3A_62, %slice3A_63 : vector<2x512xf32>
    %slice3A_65 = vector.extract_strided_slice %add3A_64 {offsets = [0, 0], sizes = [1, 512], strides = [1, 1]} : vector<2x512xf32> to vector<1x512xf32>
    %squeeze3A_66 = vector.shape_cast %slice3A_65 : vector<1x512xf32> to vector<512xf32>
    %slice3A_67 = vector.extract_strided_slice %add3A_64 {offsets = [1, 0], sizes = [1, 512], strides = [1, 1]} : vector<2x512xf32> to vector<1x512xf32>
    %squeeze3A_68 = vector.shape_cast %slice3A_67 : vector<1x512xf32> to vector<512xf32>
    %add3A_69 = arith.addf %squeeze3A_66, %squeeze3A_68 : vector<512xf32>
    %get3A_70 = arith.constant 0 : index
    %get3A_71 = arith.constant 1 : index
    %get3A_72 = arith.constant 0 : index
    %get3A_73 = vector.load %arg2[%get3A_70, %get3A_71, %get3A_72] : memref<512x6x256xf32, #tpu.memory_space<vmem>>, vector<512x1x256xf32>
    %get3A_74 = vector.shape_cast %get3A_73 : vector<512x1x256xf32> to vector<512x256xf32>
    %transpose3A_75 = tpu.transpose %get3A_74, [1, 0] : vector<512x256xf32> -> vector<256x512xf32>
    %sub3A_76 = arith.subf %transpose3A, %transpose3A_75 : vector<256x512xf32>
    %mul3A_77 = arith.mulf %sub3A_76, %sub3A_76 : vector<256x512xf32>
    %slice3A_78 = vector.extract_strided_slice %mul3A_77 {offsets = [0, 0], sizes = [128, 512], strides = [1, 1]} : vector<256x512xf32> to vector<128x512xf32>
    %slice3A_79 = vector.extract_strided_slice %mul3A_77 {offsets = [128, 0], sizes = [128, 512], strides = [1, 1]} : vector<256x512xf32> to vector<128x512xf32>
    %add3A_80 = arith.addf %slice3A_78, %slice3A_79 : vector<128x512xf32>
    %reshape3A_81 = vector.shape_cast %add3A_80 : vector<128x512xf32> to vector<16x8x512xf32>
    %slice3A_82 = vector.extract_strided_slice %reshape3A_81 {offsets = [0, 0, 0], sizes = [1, 8, 512], strides = [1, 1, 1]} : vector<16x8x512xf32> to vector<1x8x512xf32>
    %squeeze3A_83 = vector.shape_cast %slice3A_82 : vector<1x8x512xf32> to vector<8x512xf32>
    %slice3A_84 = vector.extract_strided_slice %reshape3A_81 {offsets = [1, 0, 0], sizes = [1, 8, 512], strides = [1, 1, 1]} : vector<16x8x512xf32> to vector<1x8x512xf32>
    %squeeze3A_85 = vector.shape_cast %slice3A_84 : vector<1x8x512xf32> to vector<8x512xf32>
    %add3A_86 = arith.addf %squeeze3A_83, %squeeze3A_85 : vector<8x512xf32>
    %slice3A_87 = vector.extract_strided_slice %reshape3A_81 {offsets = [2, 0, 0], sizes = [1, 8, 512], strides = [1, 1, 1]} : vector<16x8x512xf32> to vector<1x8x512xf32>
    %squeeze3A_88 = vector.shape_cast %slice3A_87 : vector<1x8x512xf32> to vector<8x512xf32>
    %add3A_89 = arith.addf %add3A_86, %squeeze3A_88 : vector<8x512xf32>
    %slice3A_90 = vector.extract_strided_slice %reshape3A_81 {offsets = [3, 0, 0], sizes = [1, 8, 512], strides = [1, 1, 1]} : vector<16x8x512xf32> to vector<1x8x512xf32>
    %squeeze3A_91 = vector.shape_cast %slice3A_90 : vector<1x8x512xf32> to vector<8x512xf32>
    %add3A_92 = arith.addf %add3A_89, %squeeze3A_91 : vector<8x512xf32>
    %slice3A_93 = vector.extract_strided_slice %reshape3A_81 {offsets = [4, 0, 0], sizes = [1, 8, 512], strides = [1, 1, 1]} : vector<16x8x512xf32> to vector<1x8x512xf32>
    %squeeze3A_94 = vector.shape_cast %slice3A_93 : vector<1x8x512xf32> to vector<8x512xf32>
    %add3A_95 = arith.addf %add3A_92, %squeeze3A_94 : vector<8x512xf32>
    %slice3A_96 = vector.extract_strided_slice %reshape3A_81 {offsets = [5, 0, 0], sizes = [1, 8, 512], strides = [1, 1, 1]} : vector<16x8x512xf32> to vector<1x8x512xf32>
    %squeeze3A_97 = vector.shape_cast %slice3A_96 : vector<1x8x512xf32> to vector<8x512xf32>
    %add3A_98 = arith.addf %add3A_95, %squeeze3A_97 : vector<8x512xf32>
    %slice3A_99 = vector.extract_strided_slice %reshape3A_81 {offsets = [6, 0, 0], sizes = [1, 8, 512], strides = [1, 1, 1]} : vector<16x8x512xf32> to vector<1x8x512xf32>
    %squeeze3A_100 = vector.shape_cast %slice3A_99 : vector<1x8x512xf32> to vector<8x512xf32>
    %add3A_101 = arith.addf %add3A_98, %squeeze3A_100 : vector<8x512xf32>
    %slice3A_102 = vector.extract_strided_slice %reshape3A_81 {offsets = [7, 0, 0], sizes = [1, 8, 512], strides = [1, 1, 1]} : vector<16x8x512xf32> to vector<1x8x512xf32>
    %squeeze3A_103 = vector.shape_cast %slice3A_102 : vector<1x8x512xf32> to vector<8x512xf32>
    %add3A_104 = arith.addf %add3A_101, %squeeze3A_103 : vector<8x512xf32>
    %slice3A_105 = vector.extract_strided_slice %reshape3A_81 {offsets = [8, 0, 0], sizes = [1, 8, 512], strides = [1, 1, 1]} : vector<16x8x512xf32> to vector<1x8x512xf32>
    %squeeze3A_106 = vector.shape_cast %slice3A_105 : vector<1x8x512xf32> to vector<8x512xf32>
    %add3A_107 = arith.addf %add3A_104, %squeeze3A_106 : vector<8x512xf32>
    %slice3A_108 = vector.extract_strided_slice %reshape3A_81 {offsets = [9, 0, 0], sizes = [1, 8, 512], strides = [1, 1, 1]} : vector<16x8x512xf32> to vector<1x8x512xf32>
    %squeeze3A_109 = vector.shape_cast %slice3A_108 : vector<1x8x512xf32> to vector<8x512xf32>
    %add3A_110 = arith.addf %add3A_107, %squeeze3A_109 : vector<8x512xf32>
    %slice3A_111 = vector.extract_strided_slice %reshape3A_81 {offsets = [10, 0, 0], sizes = [1, 8, 512], strides = [1, 1, 1]} : vector<16x8x512xf32> to vector<1x8x512xf32>
    %squeeze3A_112 = vector.shape_cast %slice3A_111 : vector<1x8x512xf32> to vector<8x512xf32>
    %add3A_113 = arith.addf %add3A_110, %squeeze3A_112 : vector<8x512xf32>
    %slice3A_114 = vector.extract_strided_slice %reshape3A_81 {offsets = [11, 0, 0], sizes = [1, 8, 512], strides = [1, 1, 1]} : vector<16x8x512xf32> to vector<1x8x512xf32>
    %squeeze3A_115 = vector.shape_cast %slice3A_114 : vector<1x8x512xf32> to vector<8x512xf32>
    %add3A_116 = arith.addf %add3A_113, %squeeze3A_115 : vector<8x512xf32>
    %slice3A_117 = vector.extract_strided_slice %reshape3A_81 {offsets = [12, 0, 0], sizes = [1, 8, 512], strides = [1, 1, 1]} : vector<16x8x512xf32> to vector<1x8x512xf32>
    %squeeze3A_118 = vector.shape_cast %slice3A_117 : vector<1x8x512xf32> to vector<8x512xf32>
    %add3A_119 = arith.addf %add3A_116, %squeeze3A_118 : vector<8x512xf32>
    %slice3A_120 = vector.extract_strided_slice %reshape3A_81 {offsets = [13, 0, 0], sizes = [1, 8, 512], strides = [1, 1, 1]} : vector<16x8x512xf32> to vector<1x8x512xf32>
    %squeeze3A_121 = vector.shape_cast %slice3A_120 : vector<1x8x512xf32> to vector<8x512xf32>
    %add3A_122 = arith.addf %add3A_119, %squeeze3A_121 : vector<8x512xf32>
    %slice3A_123 = vector.extract_strided_slice %reshape3A_81 {offsets = [14, 0, 0], sizes = [1, 8, 512], strides = [1, 1, 1]} : vector<16x8x512xf32> to vector<1x8x512xf32>
    %squeeze3A_124 = vector.shape_cast %slice3A_123 : vector<1x8x512xf32> to vector<8x512xf32>
    %add3A_125 = arith.addf %add3A_122, %squeeze3A_124 : vector<8x512xf32>
    %slice3A_126 = vector.extract_strided_slice %reshape3A_81 {offsets = [15, 0, 0], sizes = [1, 8, 512], strides = [1, 1, 1]} : vector<16x8x512xf32> to vector<1x8x512xf32>
    %squeeze3A_127 = vector.shape_cast %slice3A_126 : vector<1x8x512xf32> to vector<8x512xf32>
    %add3A_128 = arith.addf %add3A_125, %squeeze3A_127 : vector<8x512xf32>
    %slice3A_129 = vector.extract_strided_slice %add3A_128 {offsets = [0, 0], sizes = [4, 512], strides = [1, 1]} : vector<8x512xf32> to vector<4x512xf32>
    %slice3A_130 = vector.extract_strided_slice %add3A_128 {offsets = [4, 0], sizes = [4, 512], strides = [1, 1]} : vector<8x512xf32> to vector<4x512xf32>
    %add3A_131 = arith.addf %slice3A_129, %slice3A_130 : vector<4x512xf32>
    %slice3A_132 = vector.extract_strided_slice %add3A_131 {offsets = [0, 0], sizes = [2, 512], strides = [1, 1]} : vector<4x512xf32> to vector<2x512xf32>
    %slice3A_133 = vector.extract_strided_slice %add3A_131 {offsets = [2, 0], sizes = [2, 512], strides = [1, 1]} : vector<4x512xf32> to vector<2x512xf32>
    %add3A_134 = arith.addf %slice3A_132, %slice3A_133 : vector<2x512xf32>
    %slice3A_135 = vector.extract_strided_slice %add3A_134 {offsets = [0, 0], sizes = [1, 512], strides = [1, 1]} : vector<2x512xf32> to vector<1x512xf32>
    %squeeze3A_136 = vector.shape_cast %slice3A_135 : vector<1x512xf32> to vector<512xf32>
    %slice3A_137 = vector.extract_strided_slice %add3A_134 {offsets = [1, 0], sizes = [1, 512], strides = [1, 1]} : vector<2x512xf32> to vector<1x512xf32>
    %squeeze3A_138 = vector.shape_cast %slice3A_137 : vector<1x512xf32> to vector<512xf32>
    %add3A_139 = arith.addf %squeeze3A_136, %squeeze3A_138 : vector<512xf32>
    %get3A_140 = arith.constant 0 : index
    %get3A_141 = arith.constant 2 : index
    %get3A_142 = arith.constant 0 : index
    %get3A_143 = vector.load %arg2[%get3A_140, %get3A_141, %get3A_142] : memref<512x6x256xf32, #tpu.memory_space<vmem>>, vector<512x1x256xf32>
    %get3A_144 = vector.shape_cast %get3A_143 : vector<512x1x256xf32> to vector<512x256xf32>
    %transpose3A_145 = tpu.transpose %get3A_144, [1, 0] : vector<512x256xf32> -> vector<256x512xf32>
    %sub3A_146 = arith.subf %transpose3A, %transpose3A_145 : vector<256x512xf32>
    %mul3A_147 = arith.mulf %sub3A_146, %sub3A_146 : vector<256x512xf32>
    %slice3A_148 = vector.extract_strided_slice %mul3A_147 {offsets = [0, 0], sizes = [128, 512], strides = [1, 1]} : vector<256x512xf32> to vector<128x512xf32>
    %slice3A_149 = vector.extract_strided_slice %mul3A_147 {offsets = [128, 0], sizes = [128, 512], strides = [1, 1]} : vector<256x512xf32> to vector<128x512xf32>
    %add3A_150 = arith.addf %slice3A_148, %slice3A_149 : vector<128x512xf32>
    %reshape3A_151 = vector.shape_cast %add3A_150 : vector<128x512xf32> to vector<16x8x512xf32>
    %slice3A_152 = vector.extract_strided_slice %reshape3A_151 {offsets = [0, 0, 0], sizes = [1, 8, 512], strides = [1, 1, 1]} : vector<16x8x512xf32> to vector<1x8x512xf32>
    %squeeze3A_153 = vector.shape_cast %slice3A_152 : vector<1x8x512xf32> to vector<8x512xf32>
    %slice3A_154 = vector.extract_strided_slice %reshape3A_151 {offsets = [1, 0, 0], sizes = [1, 8, 512], strides = [1, 1, 1]} : vector<16x8x512xf32> to vector<1x8x512xf32>
    %squeeze3A_155 = vector.shape_cast %slice3A_154 : vector<1x8x512xf32> to vector<8x512xf32>
    %add3A_156 = arith.addf %squeeze3A_153, %squeeze3A_155 : vector<8x512xf32>
    %slice3A_157 = vector.extract_strided_slice %reshape3A_151 {offsets = [2, 0, 0], sizes = [1, 8, 512], strides = [1, 1, 1]} : vector<16x8x512xf32> to vector<1x8x512xf32>
    %squeeze3A_158 = vector.shape_cast %slice3A_157 : vector<1x8x512xf32> to vector<8x512xf32>
    %add3A_159 = arith.addf %add3A_156, %squeeze3A_158 : vector<8x512xf32>
    %slice3A_160 = vector.extract_strided_slice %reshape3A_151 {offsets = [3, 0, 0], sizes = [1, 8, 512], strides = [1, 1, 1]} : vector<16x8x512xf32> to vector<1x8x512xf32>
    %squeeze3A_161 = vector.shape_cast %slice3A_160 : vector<1x8x512xf32> to vector<8x512xf32>
    %add3A_162 = arith.addf %add3A_159, %squeeze3A_161 : vector<8x512xf32>
    %slice3A_163 = vector.extract_strided_slice %reshape3A_151 {offsets = [4, 0, 0], sizes = [1, 8, 512], strides = [1, 1, 1]} : vector<16x8x512xf32> to vector<1x8x512xf32>
    %squeeze3A_164 = vector.shape_cast %slice3A_163 : vector<1x8x512xf32> to vector<8x512xf32>
    %add3A_165 = arith.addf %add3A_162, %squeeze3A_164 : vector<8x512xf32>
    %slice3A_166 = vector.extract_strided_slice %reshape3A_151 {offsets = [5, 0, 0], sizes = [1, 8, 512], strides = [1, 1, 1]} : vector<16x8x512xf32> to vector<1x8x512xf32>
    %squeeze3A_167 = vector.shape_cast %slice3A_166 : vector<1x8x512xf32> to vector<8x512xf32>
    %add3A_168 = arith.addf %add3A_165, %squeeze3A_167 : vector<8x512xf32>
    %slice3A_169 = vector.extract_strided_slice %reshape3A_151 {offsets = [6, 0, 0], sizes = [1, 8, 512], strides = [1, 1, 1]} : vector<16x8x512xf32> to vector<1x8x512xf32>
    %squeeze3A_170 = vector.shape_cast %slice3A_169 : vector<1x8x512xf32> to vector<8x512xf32>
    %add3A_171 = arith.addf %add3A_168, %squeeze3A_170 : vector<8x512xf32>
    %slice3A_172 = vector.extract_strided_slice %reshape3A_151 {offsets = [7, 0, 0], sizes = [1, 8, 512], strides = [1, 1, 1]} : vector<16x8x512xf32> to vector<1x8x512xf32>
    %squeeze3A_173 = vector.shape_cast %slice3A_172 : vector<1x8x512xf32> to vector<8x512xf32>
    %add3A_174 = arith.addf %add3A_171, %squeeze3A_173 : vector<8x512xf32>
    %slice3A_175 = vector.extract_strided_slice %reshape3A_151 {offsets = [8, 0, 0], sizes = [1, 8, 512], strides = [1, 1, 1]} : vector<16x8x512xf32> to vector<1x8x512xf32>
    %squeeze3A_176 = vector.shape_cast %slice3A_175 : vector<1x8x512xf32> to vector<8x512xf32>
    %add3A_177 = arith.addf %add3A_174, %squeeze3A_176 : vector<8x512xf32>
    %slice3A_178 = vector.extract_strided_slice %reshape3A_151 {offsets = [9, 0, 0], sizes = [1, 8, 512], strides = [1, 1, 1]} : vector<16x8x512xf32> to vector<1x8x512xf32>
    %squeeze3A_179 = vector.shape_cast %slice3A_178 : vector<1x8x512xf32> to vector<8x512xf32>
    %add3A_180 = arith.addf %add3A_177, %squeeze3A_179 : vector<8x512xf32>
    %slice3A_181 = vector.extract_strided_slice %reshape3A_151 {offsets = [10, 0, 0], sizes = [1, 8, 512], strides = [1, 1, 1]} : vector<16x8x512xf32> to vector<1x8x512xf32>
    %squeeze3A_182 = vector.shape_cast %slice3A_181 : vector<1x8x512xf32> to vector<8x512xf32>
    %add3A_183 = arith.addf %add3A_180, %squeeze3A_182 : vector<8x512xf32>
    %slice3A_184 = vector.extract_strided_slice %reshape3A_151 {offsets = [11, 0, 0], sizes = [1, 8, 512], strides = [1, 1, 1]} : vector<16x8x512xf32> to vector<1x8x512xf32>
    %squeeze3A_185 = vector.shape_cast %slice3A_184 : vector<1x8x512xf32> to vector<8x512xf32>
    %add3A_186 = arith.addf %add3A_183, %squeeze3A_185 : vector<8x512xf32>
    %slice3A_187 = vector.extract_strided_slice %reshape3A_151 {offsets = [12, 0, 0], sizes = [1, 8, 512], strides = [1, 1, 1]} : vector<16x8x512xf32> to vector<1x8x512xf32>
    %squeeze3A_188 = vector.shape_cast %slice3A_187 : vector<1x8x512xf32> to vector<8x512xf32>
    %add3A_189 = arith.addf %add3A_186, %squeeze3A_188 : vector<8x512xf32>
    %slice3A_190 = vector.extract_strided_slice %reshape3A_151 {offsets = [13, 0, 0], sizes = [1, 8, 512], strides = [1, 1, 1]} : vector<16x8x512xf32> to vector<1x8x512xf32>
    %squeeze3A_191 = vector.shape_cast %slice3A_190 : vector<1x8x512xf32> to vector<8x512xf32>
    %add3A_192 = arith.addf %add3A_189, %squeeze3A_191 : vector<8x512xf32>
    %slice3A_193 = vector.extract_strided_slice %reshape3A_151 {offsets = [14, 0, 0], sizes = [1, 8, 512], strides = [1, 1, 1]} : vector<16x8x512xf32> to vector<1x8x512xf32>
    %squeeze3A_194 = vector.shape_cast %slice3A_193 : vector<1x8x512xf32> to vector<8x512xf32>
    %add3A_195 = arith.addf %add3A_192, %squeeze3A_194 : vector<8x512xf32>
    %slice3A_196 = vector.extract_strided_slice %reshape3A_151 {offsets = [15, 0, 0], sizes = [1, 8, 512], strides = [1, 1, 1]} : vector<16x8x512xf32> to vector<1x8x512xf32>
    %squeeze3A_197 = vector.shape_cast %slice3A_196 : vector<1x8x512xf32> to vector<8x512xf32>
    %add3A_198 = arith.addf %add3A_195, %squeeze3A_197 : vector<8x512xf32>
    %slice3A_199 = vector.extract_strided_slice %add3A_198 {offsets = [0, 0], sizes = [4, 512], strides = [1, 1]} : vector<8x512xf32> to vector<4x512xf32>
    %slice3A_200 = vector.extract_strided_slice %add3A_198 {offsets = [4, 0], sizes = [4, 512], strides = [1, 1]} : vector<8x512xf32> to vector<4x512xf32>
    %add3A_201 = arith.addf %slice3A_199, %slice3A_200 : vector<4x512xf32>
    %slice3A_202 = vector.extract_strided_slice %add3A_201 {offsets = [0, 0], sizes = [2, 512], strides = [1, 1]} : vector<4x512xf32> to vector<2x512xf32>
    %slice3A_203 = vector.extract_strided_slice %add3A_201 {offsets = [2, 0], sizes = [2, 512], strides = [1, 1]} : vector<4x512xf32> to vector<2x512xf32>
    %add3A_204 = arith.addf %slice3A_202, %slice3A_203 : vector<2x512xf32>
    %slice3A_205 = vector.extract_strided_slice %add3A_204 {offsets = [0, 0], sizes = [1, 512], strides = [1, 1]} : vector<2x512xf32> to vector<1x512xf32>
    %squeeze3A_206 = vector.shape_cast %slice3A_205 : vector<1x512xf32> to vector<512xf32>
    %slice3A_207 = vector.extract_strided_slice %add3A_204 {offsets = [1, 0], sizes = [1, 512], strides = [1, 1]} : vector<2x512xf32> to vector<1x512xf32>
    %squeeze3A_208 = vector.shape_cast %slice3A_207 : vector<1x512xf32> to vector<512xf32>
    %add3A_209 = arith.addf %squeeze3A_206, %squeeze3A_208 : vector<512xf32>
    %get3A_210 = arith.constant 0 : index
    %get3A_211 = arith.constant 3 : index
    %get3A_212 = arith.constant 0 : index
    %get3A_213 = vector.load %arg2[%get3A_210, %get3A_211, %get3A_212] : memref<512x6x256xf32, #tpu.memory_space<vmem>>, vector<512x1x256xf32>
    %get3A_214 = vector.shape_cast %get3A_213 : vector<512x1x256xf32> to vector<512x256xf32>
    %transpose3A_215 = tpu.transpose %get3A_214, [1, 0] : vector<512x256xf32> -> vector<256x512xf32>
    %sub3A_216 = arith.subf %transpose3A, %transpose3A_215 : vector<256x512xf32>
    %mul3A_217 = arith.mulf %sub3A_216, %sub3A_216 : vector<256x512xf32>
    %slice3A_218 = vector.extract_strided_slice %mul3A_217 {offsets = [0, 0], sizes = [128, 512], strides = [1, 1]} : vector<256x512xf32> to vector<128x512xf32>
    %slice3A_219 = vector.extract_strided_slice %mul3A_217 {offsets = [128, 0], sizes = [128, 512], strides = [1, 1]} : vector<256x512xf32> to vector<128x512xf32>
    %add3A_220 = arith.addf %slice3A_218, %slice3A_219 : vector<128x512xf32>
    %reshape3A_221 = vector.shape_cast %add3A_220 : vector<128x512xf32> to vector<16x8x512xf32>
    %slice3A_222 = vector.extract_strided_slice %reshape3A_221 {offsets = [0, 0, 0], sizes = [1, 8, 512], strides = [1, 1, 1]} : vector<16x8x512xf32> to vector<1x8x512xf32>
    %squeeze3A_223 = vector.shape_cast %slice3A_222 : vector<1x8x512xf32> to vector<8x512xf32>
    %slice3A_224 = vector.extract_strided_slice %reshape3A_221 {offsets = [1, 0, 0], sizes = [1, 8, 512], strides = [1, 1, 1]} : vector<16x8x512xf32> to vector<1x8x512xf32>
    %squeeze3A_225 = vector.shape_cast %slice3A_224 : vector<1x8x512xf32> to vector<8x512xf32>
    %add3A_226 = arith.addf %squeeze3A_223, %squeeze3A_225 : vector<8x512xf32>
    %slice3A_227 = vector.extract_strided_slice %reshape3A_221 {offsets = [2, 0, 0], sizes = [1, 8, 512], strides = [1, 1, 1]} : vector<16x8x512xf32> to vector<1x8x512xf32>
    %squeeze3A_228 = vector.shape_cast %slice3A_227 : vector<1x8x512xf32> to vector<8x512xf32>
    %add3A_229 = arith.addf %add3A_226, %squeeze3A_228 : vector<8x512xf32>
    %slice3A_230 = vector.extract_strided_slice %reshape3A_221 {offsets = [3, 0, 0], sizes = [1, 8, 512], strides = [1, 1, 1]} : vector<16x8x512xf32> to vector<1x8x512xf32>
    %squeeze3A_231 = vector.shape_cast %slice3A_230 : vector<1x8x512xf32> to vector<8x512xf32>
    %add3A_232 = arith.addf %add3A_229, %squeeze3A_231 : vector<8x512xf32>
    %slice3A_233 = vector.extract_strided_slice %reshape3A_221 {offsets = [4, 0, 0], sizes = [1, 8, 512], strides = [1, 1, 1]} : vector<16x8x512xf32> to vector<1x8x512xf32>
    %squeeze3A_234 = vector.shape_cast %slice3A_233 : vector<1x8x512xf32> to vector<8x512xf32>
    %add3A_235 = arith.addf %add3A_232, %squeeze3A_234 : vector<8x512xf32>
    %slice3A_236 = vector.extract_strided_slice %reshape3A_221 {offsets = [5, 0, 0], sizes = [1, 8, 512], strides = [1, 1, 1]} : vector<16x8x512xf32> to vector<1x8x512xf32>
    %squeeze3A_237 = vector.shape_cast %slice3A_236 : vector<1x8x512xf32> to vector<8x512xf32>
    %add3A_238 = arith.addf %add3A_235, %squeeze3A_237 : vector<8x512xf32>
    %slice3A_239 = vector.extract_strided_slice %reshape3A_221 {offsets = [6, 0, 0], sizes = [1, 8, 512], strides = [1, 1, 1]} : vector<16x8x512xf32> to vector<1x8x512xf32>
    %squeeze3A_240 = vector.shape_cast %slice3A_239 : vector<1x8x512xf32> to vector<8x512xf32>
    %add3A_241 = arith.addf %add3A_238, %squeeze3A_240 : vector<8x512xf32>
    %slice3A_242 = vector.extract_strided_slice %reshape3A_221 {offsets = [7, 0, 0], sizes = [1, 8, 512], strides = [1, 1, 1]} : vector<16x8x512xf32> to vector<1x8x512xf32>
    %squeeze3A_243 = vector.shape_cast %slice3A_242 : vector<1x8x512xf32> to vector<8x512xf32>
    %add3A_244 = arith.addf %add3A_241, %squeeze3A_243 : vector<8x512xf32>
    %slice3A_245 = vector.extract_strided_slice %reshape3A_221 {offsets = [8, 0, 0], sizes = [1, 8, 512], strides = [1, 1, 1]} : vector<16x8x512xf32> to vector<1x8x512xf32>
    %squeeze3A_246 = vector.shape_cast %slice3A_245 : vector<1x8x512xf32> to vector<8x512xf32>
    %add3A_247 = arith.addf %add3A_244, %squeeze3A_246 : vector<8x512xf32>
    %slice3A_248 = vector.extract_strided_slice %reshape3A_221 {offsets = [9, 0, 0], sizes = [1, 8, 512], strides = [1, 1, 1]} : vector<16x8x512xf32> to vector<1x8x512xf32>
    %squeeze3A_249 = vector.shape_cast %slice3A_248 : vector<1x8x512xf32> to vector<8x512xf32>
    %add3A_250 = arith.addf %add3A_247, %squeeze3A_249 : vector<8x512xf32>
    %slice3A_251 = vector.extract_strided_slice %reshape3A_221 {offsets = [10, 0, 0], sizes = [1, 8, 512], strides = [1, 1, 1]} : vector<16x8x512xf32> to vector<1x8x512xf32>
    %squeeze3A_252 = vector.shape_cast %slice3A_251 : vector<1x8x512xf32> to vector<8x512xf32>
    %add3A_253 = arith.addf %add3A_250, %squeeze3A_252 : vector<8x512xf32>
    %slice3A_254 = vector.extract_strided_slice %reshape3A_221 {offsets = [11, 0, 0], sizes = [1, 8, 512], strides = [1, 1, 1]} : vector<16x8x512xf32> to vector<1x8x512xf32>
    %squeeze3A_255 = vector.shape_cast %slice3A_254 : vector<1x8x512xf32> to vector<8x512xf32>
    %add3A_256 = arith.addf %add3A_253, %squeeze3A_255 : vector<8x512xf32>
    %slice3A_257 = vector.extract_strided_slice %reshape3A_221 {offsets = [12, 0, 0], sizes = [1, 8, 512], strides = [1, 1, 1]} : vector<16x8x512xf32> to vector<1x8x512xf32>
    %squeeze3A_258 = vector.shape_cast %slice3A_257 : vector<1x8x512xf32> to vector<8x512xf32>
    %add3A_259 = arith.addf %add3A_256, %squeeze3A_258 : vector<8x512xf32>
    %slice3A_260 = vector.extract_strided_slice %reshape3A_221 {offsets = [13, 0, 0], sizes = [1, 8, 512], strides = [1, 1, 1]} : vector<16x8x512xf32> to vector<1x8x512xf32>
    %squeeze3A_261 = vector.shape_cast %slice3A_260 : vector<1x8x512xf32> to vector<8x512xf32>
    %add3A_262 = arith.addf %add3A_259, %squeeze3A_261 : vector<8x512xf32>
    %slice3A_263 = vector.extract_strided_slice %reshape3A_221 {offsets = [14, 0, 0], sizes = [1, 8, 512], strides = [1, 1, 1]} : vector<16x8x512xf32> to vector<1x8x512xf32>
    %squeeze3A_264 = vector.shape_cast %slice3A_263 : vector<1x8x512xf32> to vector<8x512xf32>
    %add3A_265 = arith.addf %add3A_262, %squeeze3A_264 : vector<8x512xf32>
    %slice3A_266 = vector.extract_strided_slice %reshape3A_221 {offsets = [15, 0, 0], sizes = [1, 8, 512], strides = [1, 1, 1]} : vector<16x8x512xf32> to vector<1x8x512xf32>
    %squeeze3A_267 = vector.shape_cast %slice3A_266 : vector<1x8x512xf32> to vector<8x512xf32>
    %add3A_268 = arith.addf %add3A_265, %squeeze3A_267 : vector<8x512xf32>
    %slice3A_269 = vector.extract_strided_slice %add3A_268 {offsets = [0, 0], sizes = [4, 512], strides = [1, 1]} : vector<8x512xf32> to vector<4x512xf32>
    %slice3A_270 = vector.extract_strided_slice %add3A_268 {offsets = [4, 0], sizes = [4, 512], strides = [1, 1]} : vector<8x512xf32> to vector<4x512xf32>
    %add3A_271 = arith.addf %slice3A_269, %slice3A_270 : vector<4x512xf32>
    %slice3A_272 = vector.extract_strided_slice %add3A_271 {offsets = [0, 0], sizes = [2, 512], strides = [1, 1]} : vector<4x512xf32> to vector<2x512xf32>
    %slice3A_273 = vector.extract_strided_slice %add3A_271 {offsets = [2, 0], sizes = [2, 512], strides = [1, 1]} : vector<4x512xf32> to vector<2x512xf32>
    %add3A_274 = arith.addf %slice3A_272, %slice3A_273 : vector<2x512xf32>
    %slice3A_275 = vector.extract_strided_slice %add3A_274 {offsets = [0, 0], sizes = [1, 512], strides = [1, 1]} : vector<2x512xf32> to vector<1x512xf32>
    %squeeze3A_276 = vector.shape_cast %slice3A_275 : vector<1x512xf32> to vector<512xf32>
    %slice3A_277 = vector.extract_strided_slice %add3A_274 {offsets = [1, 0], sizes = [1, 512], strides = [1, 1]} : vector<2x512xf32> to vector<1x512xf32>
    %squeeze3A_278 = vector.shape_cast %slice3A_277 : vector<1x512xf32> to vector<512xf32>
    %add3A_279 = arith.addf %squeeze3A_276, %squeeze3A_278 : vector<512xf32>
    %get3A_280 = arith.constant 0 : index
    %get3A_281 = arith.constant 4 : index
    %get3A_282 = arith.constant 0 : index
    %get3A_283 = vector.load %arg2[%get3A_280, %get3A_281, %get3A_282] : memref<512x6x256xf32, #tpu.memory_space<vmem>>, vector<512x1x256xf32>
    %get3A_284 = vector.shape_cast %get3A_283 : vector<512x1x256xf32> to vector<512x256xf32>
    %transpose3A_285 = tpu.transpose %get3A_284, [1, 0] : vector<512x256xf32> -> vector<256x512xf32>
    %sub3A_286 = arith.subf %transpose3A, %transpose3A_285 : vector<256x512xf32>
    %mul3A_287 = arith.mulf %sub3A_286, %sub3A_286 : vector<256x512xf32>
    %slice3A_288 = vector.extract_strided_slice %mul3A_287 {offsets = [0, 0], sizes = [128, 512], strides = [1, 1]} : vector<256x512xf32> to vector<128x512xf32>
    %slice3A_289 = vector.extract_strided_slice %mul3A_287 {offsets = [128, 0], sizes = [128, 512], strides = [1, 1]} : vector<256x512xf32> to vector<128x512xf32>
    %add3A_290 = arith.addf %slice3A_288, %slice3A_289 : vector<128x512xf32>
    %reshape3A_291 = vector.shape_cast %add3A_290 : vector<128x512xf32> to vector<16x8x512xf32>
    %slice3A_292 = vector.extract_strided_slice %reshape3A_291 {offsets = [0, 0, 0], sizes = [1, 8, 512], strides = [1, 1, 1]} : vector<16x8x512xf32> to vector<1x8x512xf32>
    %squeeze3A_293 = vector.shape_cast %slice3A_292 : vector<1x8x512xf32> to vector<8x512xf32>
    %slice3A_294 = vector.extract_strided_slice %reshape3A_291 {offsets = [1, 0, 0], sizes = [1, 8, 512], strides = [1, 1, 1]} : vector<16x8x512xf32> to vector<1x8x512xf32>
    %squeeze3A_295 = vector.shape_cast %slice3A_294 : vector<1x8x512xf32> to vector<8x512xf32>
    %add3A_296 = arith.addf %squeeze3A_293, %squeeze3A_295 : vector<8x512xf32>
    %slice3A_297 = vector.extract_strided_slice %reshape3A_291 {offsets = [2, 0, 0], sizes = [1, 8, 512], strides = [1, 1, 1]} : vector<16x8x512xf32> to vector<1x8x512xf32>
    %squeeze3A_298 = vector.shape_cast %slice3A_297 : vector<1x8x512xf32> to vector<8x512xf32>
    %add3A_299 = arith.addf %add3A_296, %squeeze3A_298 : vector<8x512xf32>
    %slice3A_300 = vector.extract_strided_slice %reshape3A_291 {offsets = [3, 0, 0], sizes = [1, 8, 512], strides = [1, 1, 1]} : vector<16x8x512xf32> to vector<1x8x512xf32>
    %squeeze3A_301 = vector.shape_cast %slice3A_300 : vector<1x8x512xf32> to vector<8x512xf32>
    %add3A_302 = arith.addf %add3A_299, %squeeze3A_301 : vector<8x512xf32>
    %slice3A_303 = vector.extract_strided_slice %reshape3A_291 {offsets = [4, 0, 0], sizes = [1, 8, 512], strides = [1, 1, 1]} : vector<16x8x512xf32> to vector<1x8x512xf32>
    %squeeze3A_304 = vector.shape_cast %slice3A_303 : vector<1x8x512xf32> to vector<8x512xf32>
    %add3A_305 = arith.addf %add3A_302, %squeeze3A_304 : vector<8x512xf32>
    %slice3A_306 = vector.extract_strided_slice %reshape3A_291 {offsets = [5, 0, 0], sizes = [1, 8, 512], strides = [1, 1, 1]} : vector<16x8x512xf32> to vector<1x8x512xf32>
    %squeeze3A_307 = vector.shape_cast %slice3A_306 : vector<1x8x512xf32> to vector<8x512xf32>
    %add3A_308 = arith.addf %add3A_305, %squeeze3A_307 : vector<8x512xf32>
    %slice3A_309 = vector.extract_strided_slice %reshape3A_291 {offsets = [6, 0, 0], sizes = [1, 8, 512], strides = [1, 1, 1]} : vector<16x8x512xf32> to vector<1x8x512xf32>
    %squeeze3A_310 = vector.shape_cast %slice3A_309 : vector<1x8x512xf32> to vector<8x512xf32>
    %add3A_311 = arith.addf %add3A_308, %squeeze3A_310 : vector<8x512xf32>
    %slice3A_312 = vector.extract_strided_slice %reshape3A_291 {offsets = [7, 0, 0], sizes = [1, 8, 512], strides = [1, 1, 1]} : vector<16x8x512xf32> to vector<1x8x512xf32>
    %squeeze3A_313 = vector.shape_cast %slice3A_312 : vector<1x8x512xf32> to vector<8x512xf32>
    %add3A_314 = arith.addf %add3A_311, %squeeze3A_313 : vector<8x512xf32>
    %slice3A_315 = vector.extract_strided_slice %reshape3A_291 {offsets = [8, 0, 0], sizes = [1, 8, 512], strides = [1, 1, 1]} : vector<16x8x512xf32> to vector<1x8x512xf32>
    %squeeze3A_316 = vector.shape_cast %slice3A_315 : vector<1x8x512xf32> to vector<8x512xf32>
    %add3A_317 = arith.addf %add3A_314, %squeeze3A_316 : vector<8x512xf32>
    %slice3A_318 = vector.extract_strided_slice %reshape3A_291 {offsets = [9, 0, 0], sizes = [1, 8, 512], strides = [1, 1, 1]} : vector<16x8x512xf32> to vector<1x8x512xf32>
    %squeeze3A_319 = vector.shape_cast %slice3A_318 : vector<1x8x512xf32> to vector<8x512xf32>
    %add3A_320 = arith.addf %add3A_317, %squeeze3A_319 : vector<8x512xf32>
    %slice3A_321 = vector.extract_strided_slice %reshape3A_291 {offsets = [10, 0, 0], sizes = [1, 8, 512], strides = [1, 1, 1]} : vector<16x8x512xf32> to vector<1x8x512xf32>
    %squeeze3A_322 = vector.shape_cast %slice3A_321 : vector<1x8x512xf32> to vector<8x512xf32>
    %add3A_323 = arith.addf %add3A_320, %squeeze3A_322 : vector<8x512xf32>
    %slice3A_324 = vector.extract_strided_slice %reshape3A_291 {offsets = [11, 0, 0], sizes = [1, 8, 512], strides = [1, 1, 1]} : vector<16x8x512xf32> to vector<1x8x512xf32>
    %squeeze3A_325 = vector.shape_cast %slice3A_324 : vector<1x8x512xf32> to vector<8x512xf32>
    %add3A_326 = arith.addf %add3A_323, %squeeze3A_325 : vector<8x512xf32>
    %slice3A_327 = vector.extract_strided_slice %reshape3A_291 {offsets = [12, 0, 0], sizes = [1, 8, 512], strides = [1, 1, 1]} : vector<16x8x512xf32> to vector<1x8x512xf32>
    %squeeze3A_328 = vector.shape_cast %slice3A_327 : vector<1x8x512xf32> to vector<8x512xf32>
    %add3A_329 = arith.addf %add3A_326, %squeeze3A_328 : vector<8x512xf32>
    %slice3A_330 = vector.extract_strided_slice %reshape3A_291 {offsets = [13, 0, 0], sizes = [1, 8, 512], strides = [1, 1, 1]} : vector<16x8x512xf32> to vector<1x8x512xf32>
    %squeeze3A_331 = vector.shape_cast %slice3A_330 : vector<1x8x512xf32> to vector<8x512xf32>
    %add3A_332 = arith.addf %add3A_329, %squeeze3A_331 : vector<8x512xf32>
    %slice3A_333 = vector.extract_strided_slice %reshape3A_291 {offsets = [14, 0, 0], sizes = [1, 8, 512], strides = [1, 1, 1]} : vector<16x8x512xf32> to vector<1x8x512xf32>
    %squeeze3A_334 = vector.shape_cast %slice3A_333 : vector<1x8x512xf32> to vector<8x512xf32>
    %add3A_335 = arith.addf %add3A_332, %squeeze3A_334 : vector<8x512xf32>
    %slice3A_336 = vector.extract_strided_slice %reshape3A_291 {offsets = [15, 0, 0], sizes = [1, 8, 512], strides = [1, 1, 1]} : vector<16x8x512xf32> to vector<1x8x512xf32>
    %squeeze3A_337 = vector.shape_cast %slice3A_336 : vector<1x8x512xf32> to vector<8x512xf32>
    %add3A_338 = arith.addf %add3A_335, %squeeze3A_337 : vector<8x512xf32>
    %slice3A_339 = vector.extract_strided_slice %add3A_338 {offsets = [0, 0], sizes = [4, 512], strides = [1, 1]} : vector<8x512xf32> to vector<4x512xf32>
    %slice3A_340 = vector.extract_strided_slice %add3A_338 {offsets = [4, 0], sizes = [4, 512], strides = [1, 1]} : vector<8x512xf32> to vector<4x512xf32>
    %add3A_341 = arith.addf %slice3A_339, %slice3A_340 : vector<4x512xf32>
    %slice3A_342 = vector.extract_strided_slice %add3A_341 {offsets = [0, 0], sizes = [2, 512], strides = [1, 1]} : vector<4x512xf32> to vector<2x512xf32>
    %slice3A_343 = vector.extract_strided_slice %add3A_341 {offsets = [2, 0], sizes = [2, 512], strides = [1, 1]} : vector<4x512xf32> to vector<2x512xf32>
    %add3A_344 = arith.addf %slice3A_342, %slice3A_343 : vector<2x512xf32>
    %slice3A_345 = vector.extract_strided_slice %add3A_344 {offsets = [0, 0], sizes = [1, 512], strides = [1, 1]} : vector<2x512xf32> to vector<1x512xf32>
    %squeeze3A_346 = vector.shape_cast %slice3A_345 : vector<1x512xf32> to vector<512xf32>
    %slice3A_347 = vector.extract_strided_slice %add3A_344 {offsets = [1, 0], sizes = [1, 512], strides = [1, 1]} : vector<2x512xf32> to vector<1x512xf32>
    %squeeze3A_348 = vector.shape_cast %slice3A_347 : vector<1x512xf32> to vector<512xf32>
    %add3A_349 = arith.addf %squeeze3A_346, %squeeze3A_348 : vector<512xf32>
    %get3A_350 = arith.constant 0 : index
    %get3A_351 = arith.constant 5 : index
    %get3A_352 = arith.constant 0 : index
    %get3A_353 = vector.load %arg2[%get3A_350, %get3A_351, %get3A_352] : memref<512x6x256xf32, #tpu.memory_space<vmem>>, vector<512x1x256xf32>
    %get3A_354 = vector.shape_cast %get3A_353 : vector<512x1x256xf32> to vector<512x256xf32>
    %transpose3A_355 = tpu.transpose %get3A_354, [1, 0] : vector<512x256xf32> -> vector<256x512xf32>
    %sub3A_356 = arith.subf %transpose3A, %transpose3A_355 : vector<256x512xf32>
    %mul3A_357 = arith.mulf %sub3A_356, %sub3A_356 : vector<256x512xf32>
    %slice3A_358 = vector.extract_strided_slice %mul3A_357 {offsets = [0, 0], sizes = [128, 512], strides = [1, 1]} : vector<256x512xf32> to vector<128x512xf32>
    %slice3A_359 = vector.extract_strided_slice %mul3A_357 {offsets = [128, 0], sizes = [128, 512], strides = [1, 1]} : vector<256x512xf32> to vector<128x512xf32>
    %add3A_360 = arith.addf %slice3A_358, %slice3A_359 : vector<128x512xf32>
    %reshape3A_361 = vector.shape_cast %add3A_360 : vector<128x512xf32> to vector<16x8x512xf32>
    %slice3A_362 = vector.extract_strided_slice %reshape3A_361 {offsets = [0, 0, 0], sizes = [1, 8, 512], strides = [1, 1, 1]} : vector<16x8x512xf32> to vector<1x8x512xf32>
    %squeeze3A_363 = vector.shape_cast %slice3A_362 : vector<1x8x512xf32> to vector<8x512xf32>
    %slice3A_364 = vector.extract_strided_slice %reshape3A_361 {offsets = [1, 0, 0], sizes = [1, 8, 512], strides = [1, 1, 1]} : vector<16x8x512xf32> to vector<1x8x512xf32>
    %squeeze3A_365 = vector.shape_cast %slice3A_364 : vector<1x8x512xf32> to vector<8x512xf32>
    %add3A_366 = arith.addf %squeeze3A_363, %squeeze3A_365 : vector<8x512xf32>
    %slice3A_367 = vector.extract_strided_slice %reshape3A_361 {offsets = [2, 0, 0], sizes = [1, 8, 512], strides = [1, 1, 1]} : vector<16x8x512xf32> to vector<1x8x512xf32>
    %squeeze3A_368 = vector.shape_cast %slice3A_367 : vector<1x8x512xf32> to vector<8x512xf32>
    %add3A_369 = arith.addf %add3A_366, %squeeze3A_368 : vector<8x512xf32>
    %slice3A_370 = vector.extract_strided_slice %reshape3A_361 {offsets = [3, 0, 0], sizes = [1, 8, 512], strides = [1, 1, 1]} : vector<16x8x512xf32> to vector<1x8x512xf32>
    %squeeze3A_371 = vector.shape_cast %slice3A_370 : vector<1x8x512xf32> to vector<8x512xf32>
    %add3A_372 = arith.addf %add3A_369, %squeeze3A_371 : vector<8x512xf32>
    %slice3A_373 = vector.extract_strided_slice %reshape3A_361 {offsets = [4, 0, 0], sizes = [1, 8, 512], strides = [1, 1, 1]} : vector<16x8x512xf32> to vector<1x8x512xf32>
    %squeeze3A_374 = vector.shape_cast %slice3A_373 : vector<1x8x512xf32> to vector<8x512xf32>
    %add3A_375 = arith.addf %add3A_372, %squeeze3A_374 : vector<8x512xf32>
    %slice3A_376 = vector.extract_strided_slice %reshape3A_361 {offsets = [5, 0, 0], sizes = [1, 8, 512], strides = [1, 1, 1]} : vector<16x8x512xf32> to vector<1x8x512xf32>
    %squeeze3A_377 = vector.shape_cast %slice3A_376 : vector<1x8x512xf32> to vector<8x512xf32>
    %add3A_378 = arith.addf %add3A_375, %squeeze3A_377 : vector<8x512xf32>
    %slice3A_379 = vector.extract_strided_slice %reshape3A_361 {offsets = [6, 0, 0], sizes = [1, 8, 512], strides = [1, 1, 1]} : vector<16x8x512xf32> to vector<1x8x512xf32>
    %squeeze3A_380 = vector.shape_cast %slice3A_379 : vector<1x8x512xf32> to vector<8x512xf32>
    %add3A_381 = arith.addf %add3A_378, %squeeze3A_380 : vector<8x512xf32>
    %slice3A_382 = vector.extract_strided_slice %reshape3A_361 {offsets = [7, 0, 0], sizes = [1, 8, 512], strides = [1, 1, 1]} : vector<16x8x512xf32> to vector<1x8x512xf32>
    %squeeze3A_383 = vector.shape_cast %slice3A_382 : vector<1x8x512xf32> to vector<8x512xf32>
    %add3A_384 = arith.addf %add3A_381, %squeeze3A_383 : vector<8x512xf32>
    %slice3A_385 = vector.extract_strided_slice %reshape3A_361 {offsets = [8, 0, 0], sizes = [1, 8, 512], strides = [1, 1, 1]} : vector<16x8x512xf32> to vector<1x8x512xf32>
    %squeeze3A_386 = vector.shape_cast %slice3A_385 : vector<1x8x512xf32> to vector<8x512xf32>
    %add3A_387 = arith.addf %add3A_384, %squeeze3A_386 : vector<8x512xf32>
    %slice3A_388 = vector.extract_strided_slice %reshape3A_361 {offsets = [9, 0, 0], sizes = [1, 8, 512], strides = [1, 1, 1]} : vector<16x8x512xf32> to vector<1x8x512xf32>
    %squeeze3A_389 = vector.shape_cast %slice3A_388 : vector<1x8x512xf32> to vector<8x512xf32>
    %add3A_390 = arith.addf %add3A_387, %squeeze3A_389 : vector<8x512xf32>
    %slice3A_391 = vector.extract_strided_slice %reshape3A_361 {offsets = [10, 0, 0], sizes = [1, 8, 512], strides = [1, 1, 1]} : vector<16x8x512xf32> to vector<1x8x512xf32>
    %squeeze3A_392 = vector.shape_cast %slice3A_391 : vector<1x8x512xf32> to vector<8x512xf32>
    %add3A_393 = arith.addf %add3A_390, %squeeze3A_392 : vector<8x512xf32>
    %slice3A_394 = vector.extract_strided_slice %reshape3A_361 {offsets = [11, 0, 0], sizes = [1, 8, 512], strides = [1, 1, 1]} : vector<16x8x512xf32> to vector<1x8x512xf32>
    %squeeze3A_395 = vector.shape_cast %slice3A_394 : vector<1x8x512xf32> to vector<8x512xf32>
    %add3A_396 = arith.addf %add3A_393, %squeeze3A_395 : vector<8x512xf32>
    %slice3A_397 = vector.extract_strided_slice %reshape3A_361 {offsets = [12, 0, 0], sizes = [1, 8, 512], strides = [1, 1, 1]} : vector<16x8x512xf32> to vector<1x8x512xf32>
    %squeeze3A_398 = vector.shape_cast %slice3A_397 : vector<1x8x512xf32> to vector<8x512xf32>
    %add3A_399 = arith.addf %add3A_396, %squeeze3A_398 : vector<8x512xf32>
    %slice3A_400 = vector.extract_strided_slice %reshape3A_361 {offsets = [13, 0, 0], sizes = [1, 8, 512], strides = [1, 1, 1]} : vector<16x8x512xf32> to vector<1x8x512xf32>
    %squeeze3A_401 = vector.shape_cast %slice3A_400 : vector<1x8x512xf32> to vector<8x512xf32>
    %add3A_402 = arith.addf %add3A_399, %squeeze3A_401 : vector<8x512xf32>
    %slice3A_403 = vector.extract_strided_slice %reshape3A_361 {offsets = [14, 0, 0], sizes = [1, 8, 512], strides = [1, 1, 1]} : vector<16x8x512xf32> to vector<1x8x512xf32>
    %squeeze3A_404 = vector.shape_cast %slice3A_403 : vector<1x8x512xf32> to vector<8x512xf32>
    %add3A_405 = arith.addf %add3A_402, %squeeze3A_404 : vector<8x512xf32>
    %slice3A_406 = vector.extract_strided_slice %reshape3A_361 {offsets = [15, 0, 0], sizes = [1, 8, 512], strides = [1, 1, 1]} : vector<16x8x512xf32> to vector<1x8x512xf32>
    %squeeze3A_407 = vector.shape_cast %slice3A_406 : vector<1x8x512xf32> to vector<8x512xf32>
    %add3A_408 = arith.addf %add3A_405, %squeeze3A_407 : vector<8x512xf32>
    %slice3A_409 = vector.extract_strided_slice %add3A_408 {offsets = [0, 0], sizes = [4, 512], strides = [1, 1]} : vector<8x512xf32> to vector<4x512xf32>
    %slice3A_410 = vector.extract_strided_slice %add3A_408 {offsets = [4, 0], sizes = [4, 512], strides = [1, 1]} : vector<8x512xf32> to vector<4x512xf32>
    %add3A_411 = arith.addf %slice3A_409, %slice3A_410 : vector<4x512xf32>
    %slice3A_412 = vector.extract_strided_slice %add3A_411 {offsets = [0, 0], sizes = [2, 512], strides = [1, 1]} : vector<4x512xf32> to vector<2x512xf32>
    %slice3A_413 = vector.extract_strided_slice %add3A_411 {offsets = [2, 0], sizes = [2, 512], strides = [1, 1]} : vector<4x512xf32> to vector<2x512xf32>
    %add3A_414 = arith.addf %slice3A_412, %slice3A_413 : vector<2x512xf32>
    %slice3A_415 = vector.extract_strided_slice %add3A_414 {offsets = [0, 0], sizes = [1, 512], strides = [1, 1]} : vector<2x512xf32> to vector<1x512xf32>
    %squeeze3A_416 = vector.shape_cast %slice3A_415 : vector<1x512xf32> to vector<512xf32>
    %slice3A_417 = vector.extract_strided_slice %add3A_414 {offsets = [1, 0], sizes = [1, 512], strides = [1, 1]} : vector<2x512xf32> to vector<1x512xf32>
    %squeeze3A_418 = vector.shape_cast %slice3A_417 : vector<1x512xf32> to vector<512xf32>
    %add3A_419 = arith.addf %squeeze3A_416, %squeeze3A_418 : vector<512xf32>
    %stack3A = vector.shape_cast %add3A_69 : vector<512xf32> to vector<1x512xf32>
    %stack3A_420 = vector.shape_cast %add3A_139 : vector<512xf32> to vector<1x512xf32>
    %stack3A_421 = vector.shape_cast %add3A_209 : vector<512xf32> to vector<1x512xf32>
    %stack3A_422 = vector.shape_cast %add3A_279 : vector<512xf32> to vector<1x512xf32>
    %stack3A_423 = vector.shape_cast %add3A_349 : vector<512xf32> to vector<1x512xf32>
    %stack3A_424 = vector.shape_cast %add3A_419 : vector<512xf32> to vector<1x512xf32>
    %stack3A_425 = tpu.concatenate %stack3A, %stack3A_420, %stack3A_421, %stack3A_422, %stack3A_423, %stack3A_424 in 0 : vector<1x512xf32>, vector<1x512xf32>, vector<1x512xf32>, vector<1x512xf32>, vector<1x512xf32>, vector<1x512xf32> -> vector<6x512xf32>
    %sqrt3A = math.sqrt %stack3A_425 : vector<6x512xf32>
    %reduce_min3A = arith.constant dense<0x7F800000> : vector<512xf32>
    %reduce_min3A_426 = vector.multi_reduction <minimumf>, %sqrt3A, %reduce_min3A [0] : vector<6x512xf32> to vector<512xf32>
    %broadcast_in_dim3A = vector.shape_cast %reduce_min3A_426 : vector<512xf32> to vector<1x512xf32>
    %eq3A = vector.broadcast %broadcast_in_dim3A : vector<1x512xf32> to vector<6x512xf32>
    %eq3A_427 = arith.cmpf oeq, %sqrt3A, %eq3A : vector<6x512xf32>
    %jit3A = arith.constant 1024 : i32
    %broadcast_in_dim3A_428 = vector.broadcast %jit3A : i32 to vector<6x512xi32>
    %select_n3A = arith.select %eq3A_427, %transpose3A_5, %broadcast_in_dim3A_428 : vector<6x512xi1>, vector<6x512xi32>
    %reduce_min3A_429 = arith.constant dense<2147483647> : vector<512xi32>
    %reduce_min3A_430 = vector.multi_reduction <minsi>, %select_n3A, %reduce_min3A_429 [0] : vector<6x512xi32> to vector<512xi32>
    %broadcast_in_dim3A_431 = vector.shape_cast %reduce_min3A_430 : vector<512xi32> to vector<1x512xi32>
    %eq3A_432 = vector.broadcast %broadcast_in_dim3A_431 : vector<1x512xi32> to vector<6x512xi32>
    %eq3A_433 = arith.cmpi eq, %transpose3A_5, %eq3A_432 : vector<6x512xi32>
    %jit3A_434 = arith.constant 0x7F800000 : f32
    %broadcast_in_dim3A_435 = vector.broadcast %jit3A_434 : f32 to vector<6x512xf32>
    %select_n3A_436 = arith.select %eq3A_433, %stack3A_425, %broadcast_in_dim3A_435 : vector<6x512xi1>, vector<6x512xf32>
    %reduce_min3A_437 = arith.constant dense<0x7F800000> : vector<512xf32>
    %reduce_min3A_438 = vector.multi_reduction <minimumf>, %select_n3A_436, %reduce_min3A_437 [0] : vector<6x512xf32> to vector<512xf32>
    %slice3A_439 = vector.extract_strided_slice %eq3A_433 {offsets = [1, 0], sizes = [1, 512], strides = [1, 1]} : vector<6x512xi1> to vector<1x512xi1>
    %squeeze3A_440 = vector.shape_cast %slice3A_439 : vector<1x512xi1> to vector<512xi1>
    %broadcast_in_dim3A_441 = vector.shape_cast %squeeze3A_440 : vector<512xi1> to vector<1x512xi1>
    %broadcast_in_dim3A_442 = vector.shape_cast %broadcast_in_dim3A_441 : vector<1x512xi1> to vector<1x512xi1>
    %broadcast_in_dim3A_443 = vector.broadcast %broadcast_in_dim3A_442 : vector<1x512xi1> to vector<256x512xi1>
    %select_n3A_444 = arith.select %broadcast_in_dim3A_443, %transpose3A_75, %transpose3A_11 : vector<256x512xi1>, vector<256x512xf32>
    %slice3A_445 = vector.extract_strided_slice %eq3A_433 {offsets = [2, 0], sizes = [1, 512], strides = [1, 1]} : vector<6x512xi1> to vector<1x512xi1>
    %squeeze3A_446 = vector.shape_cast %slice3A_445 : vector<1x512xi1> to vector<512xi1>
    %broadcast_in_dim3A_447 = vector.shape_cast %squeeze3A_446 : vector<512xi1> to vector<1x512xi1>
    %broadcast_in_dim3A_448 = vector.shape_cast %broadcast_in_dim3A_447 : vector<1x512xi1> to vector<1x512xi1>
    %broadcast_in_dim3A_449 = vector.broadcast %broadcast_in_dim3A_448 : vector<1x512xi1> to vector<256x512xi1>
    %select_n3A_450 = arith.select %broadcast_in_dim3A_449, %transpose3A_145, %select_n3A_444 : vector<256x512xi1>, vector<256x512xf32>
    %slice3A_451 = vector.extract_strided_slice %eq3A_433 {offsets = [3, 0], sizes = [1, 512], strides = [1, 1]} : vector<6x512xi1> to vector<1x512xi1>
    %squeeze3A_452 = vector.shape_cast %slice3A_451 : vector<1x512xi1> to vector<512xi1>
    %broadcast_in_dim3A_453 = vector.shape_cast %squeeze3A_452 : vector<512xi1> to vector<1x512xi1>
    %broadcast_in_dim3A_454 = vector.shape_cast %broadcast_in_dim3A_453 : vector<1x512xi1> to vector<1x512xi1>
    %broadcast_in_dim3A_455 = vector.broadcast %broadcast_in_dim3A_454 : vector<1x512xi1> to vector<256x512xi1>
    %select_n3A_456 = arith.select %broadcast_in_dim3A_455, %transpose3A_215, %select_n3A_450 : vector<256x512xi1>, vector<256x512xf32>
    %slice3A_457 = vector.extract_strided_slice %eq3A_433 {offsets = [4, 0], sizes = [1, 512], strides = [1, 1]} : vector<6x512xi1> to vector<1x512xi1>
    %squeeze3A_458 = vector.shape_cast %slice3A_457 : vector<1x512xi1> to vector<512xi1>
    %broadcast_in_dim3A_459 = vector.shape_cast %squeeze3A_458 : vector<512xi1> to vector<1x512xi1>
    %broadcast_in_dim3A_460 = vector.shape_cast %broadcast_in_dim3A_459 : vector<1x512xi1> to vector<1x512xi1>
    %broadcast_in_dim3A_461 = vector.broadcast %broadcast_in_dim3A_460 : vector<1x512xi1> to vector<256x512xi1>
    %select_n3A_462 = arith.select %broadcast_in_dim3A_461, %transpose3A_285, %select_n3A_456 : vector<256x512xi1>, vector<256x512xf32>
    %slice3A_463 = vector.extract_strided_slice %eq3A_433 {offsets = [5, 0], sizes = [1, 512], strides = [1, 1]} : vector<6x512xi1> to vector<1x512xi1>
    %squeeze3A_464 = vector.shape_cast %slice3A_463 : vector<1x512xi1> to vector<512xi1>
    %broadcast_in_dim3A_465 = vector.shape_cast %squeeze3A_464 : vector<512xi1> to vector<1x512xi1>
    %broadcast_in_dim3A_466 = vector.shape_cast %broadcast_in_dim3A_465 : vector<1x512xi1> to vector<1x512xi1>
    %broadcast_in_dim3A_467 = vector.broadcast %broadcast_in_dim3A_466 : vector<1x512xi1> to vector<256x512xi1>
    %select_n3A_468 = arith.select %broadcast_in_dim3A_467, %transpose3A_355, %select_n3A_462 : vector<256x512xi1>, vector<256x512xf32>
    %transpose3A_469 = tpu.transpose %select_n3A_468, [1, 0] : vector<256x512xf32> -> vector<512x256xf32>
    %sub3A_470 = arith.subf %transpose3A_469, %get3A_1 : vector<512x256xf32>
    %add3A_471 = arith.addf %sub3A_470, %get3A_1 : vector<512x256xf32>
    %swap3A = arith.constant 0 : index
    %swap3A_472 = arith.constant 0 : index
    %swap3A_473 = vector.load %arg4[%swap3A, %swap3A_472] : memref<512x256xf32, #tpu.memory_space<vmem>>, vector<512x256xf32>
    tpu.vector_store %arg4[%swap3A, %swap3A_472], %add3A_471 {strides = array<i32>} : memref<512x256xf32, #tpu.memory_space<vmem>>, vector<512x256xf32>,
    %broadcast_in_dim3A_474 = vector.shape_cast %reduce_min3A_438 : vector<512xf32> to vector<1x1x512xf32>
    %swap3A_475 = arith.constant 0 : index
    %swap3A_476 = arith.constant 0 : index
    %swap3A_477 = arith.constant 0 : index
    %swap3A_478 = vector.load %arg5[%swap3A_475, %swap3A_476, %swap3A_477] : memref<1x1x512xf32, #tpu.memory_space<vmem>>, vector<1x1x512xf32>
    tpu.vector_store %arg5[%swap3A_475, %swap3A_476, %swap3A_477], %broadcast_in_dim3A_474 {strides = array<i32>} : memref<1x1x512xf32, #tpu.memory_space<vmem>>, vector<1x1x512xf32>,
    %iota3A = tpu.iota {dimensions = array<i32: 0>} : vector<8x128x1xi32>
    %mul3A_479 = arith.constant 128 : i32
    %mul3A_480 = vector.broadcast %mul3A_479 : i32 to vector<8x128x1xi32>
    %mul3A_481 = arith.muli %iota3A, %mul3A_480 : vector<8x128x1xi32>
    %iota3A_482 = tpu.iota {dimensions = array<i32: 1>} : vector<8x128x1xi32>
    %add3A_483 = arith.addi %mul3A_481, %iota3A_482 : vector<8x128x1xi32>
    %broadcast_in_dim3A_484 = vector.shape_cast %reduce_min3A_430 : vector<512xi32> to vector<1x1x512xi32>
    %eq3A_485 = vector.broadcast %add3A_483 : vector<8x128x1xi32> to vector<8x128x512xi32>
    %eq3A_486 = vector.broadcast %broadcast_in_dim3A_484 : vector<1x1x512xi32> to vector<8x128x512xi32>
    %eq3A_487 = arith.cmpi eq, %eq3A_485, %eq3A_486 : vector<8x128x512xi32>
    %jit3A_488 = arith.constant 1.000000e+00 : f32
    %jit3A_489 = arith.constant 0.000000e+00 : f32
    %broadcast_in_dim3A_490 = vector.broadcast %jit3A_488 : f32 to vector<8x128x512xf32>
    %broadcast_in_dim3A_491 = vector.broadcast %jit3A_489 : f32 to vector<8x128x512xf32>
    %select_n3A_492 = arith.select %eq3A_487, %broadcast_in_dim3A_490, %broadcast_in_dim3A_491 : vector<8x128x512xi1>, vector<8x128x512xf32>
    %reduce_sum3A = arith.constant dense<0.000000e+00> : vector<8x128xf32>
    %reduce_sum3A_493 = vector.multi_reduction <add>, %select_n3A_492, %reduce_sum3A [2] : vector<8x128x512xf32> to vector<8x128xf32>
    %eq3A_494 = arith.constant 0 : i32
    %eq3A_495 = arith.cmpi eq, %arg0, %eq3A_494 : i32
    %convert_element_type3A = arith.extui %eq3A_495 : i1 to i32
    %cond3A = arith.constant 0 : i32
    %cond3A_496 = arith.cmpi ne, %convert_element_type3A, %cond3A : i32
    scf.if %cond3A_496 {
      %swap3A_506 = arith.constant 0 : index
      %swap3A_507 = arith.constant 0 : index
      %swap3A_508 = vector.load %arg6[%swap3A_506, %swap3A_507] : memref<8x128xf32, #tpu.memory_space<vmem>>, vector<8x128xf32>
      tpu.vector_store %arg6[%swap3A_506, %swap3A_507], %reduce_sum3A_493 {strides = array<i32>} : memref<8x128xf32, #tpu.memory_space<vmem>>, vector<8x128xf32>,
    } else {
    }
    %gt3A = arith.constant 0 : i32
    %gt3A_497 = arith.cmpi sgt, %arg0, %gt3A : i32
    %convert_element_type3A_498 = arith.extui %gt3A_497 : i1 to i32
    %cond3A_499 = arith.constant 0 : i32
    %cond3A_500 = arith.cmpi ne, %convert_element_type3A_498, %cond3A_499 : i32
    scf.if %cond3A_500 {
      %get3A_506 = arith.constant 0 : index
      %get3A_507 = arith.constant 0 : index
      %get3A_508 = vector.load %arg6[%get3A_506, %get3A_507] : memref<8x128xf32, #tpu.memory_space<vmem>>, vector<8x128xf32>
      %add3A_509 = arith.addf %get3A_508, %reduce_sum3A_493 : vector<8x128xf32>
      %swap3A_510 = arith.constant 0 : index
      %swap3A_511 = arith.constant 0 : index
      %swap3A_512 = vector.load %arg6[%swap3A_510, %swap3A_511] : memref<8x128xf32, #tpu.memory_space<vmem>>, vector<8x128xf32>
      tpu.vector_store %arg6[%swap3A_510, %swap3A_511], %add3A_509 {strides = array<i32>} : memref<8x128xf32, #tpu.memory_space<vmem>>, vector<8x128xf32>,
    } else {
    }
    %eq3A_501 = arith.constant 8 : i32
    %eq3A_502 = arith.cmpi eq, %arg0, %eq3A_501 : i32
    %convert_element_type3A_503 = arith.extui %eq3A_502 : i1 to i32
    %cond3A_504 = arith.constant 0 : i32
    %cond3A_505 = arith.cmpi ne, %convert_element_type3A_503, %cond3A_504 : i32
    scf.if %cond3A_505 {
      %get3A_506 = arith.constant 0 : index
      %get3A_507 = arith.constant 0 : index
      %get3A_508 = vector.load %arg6[%get3A_506, %get3A_507] : memref<8x128xf32, #tpu.memory_space<vmem>>, vector<8x128xf32>
      %div3A = arith.constant 4.608000e+03 : f32
      %div3A_509 = vector.broadcast %div3A : f32 to vector<8x128xf32>
      %div3A_510 = arith.divf %get3A_508, %div3A_509 : vector<8x128xf32>
      %gt3A_511 = arith.constant 0.000000e+00 : f32
      %gt3A_512 = vector.broadcast %gt3A_511 : f32 to vector<8x128xf32>
      %gt3A_513 = arith.cmpf ogt, %get3A_508, %gt3A_512 : vector<8x128xf32>
      %jit3A_514 = arith.constant 1.000000e+00 : f32
      %broadcast_in_dim3A_515 = vector.broadcast %jit3A_514 : f32 to vector<8x128xf32>
      %select_n3A_516 = arith.select %gt3A_513, %div3A_510, %broadcast_in_dim3A_515 : vector<8x128xi1>, vector<8x128xf32>
      %gt3A_517 = arith.constant 0.000000e+00 : f32
      %gt3A_518 = vector.broadcast %gt3A_517 : f32 to vector<8x128xf32>
      %gt3A_519 = arith.cmpf ogt, %get3A_508, %gt3A_518 : vector<8x128xf32>
      %log3A = math.log %select_n3A_516 : vector<8x128xf32>
      %mul3A_520 = arith.mulf %div3A_510, %log3A : vector<8x128xf32>
      %jit3A_521 = arith.constant 0.000000e+00 : f32
      %broadcast_in_dim3A_522 = vector.broadcast %jit3A_521 : f32 to vector<8x128xf32>
      %select_n3A_523 = arith.select %gt3A_519, %mul3A_520, %broadcast_in_dim3A_522 : vector<8x128xi1>, vector<8x128xf32>
      %reduce_sum3A_524 = vector.shape_cast %select_n3A_523 : vector<8x128xf32> to vector<1x8x128xf32>
      %reduce_sum3A_525 = arith.constant dense<0.000000e+00> : vector<1xf32>
      %reduce_sum3A_526 = vector.multi_reduction <add>, %reduce_sum3A_524, %reduce_sum3A_525 [1, 2] : vector<1x8x128xf32> to vector<1xf32>
      %reduce_sum3A_527 = vector.shape_cast %reduce_sum3A_526 : vector<1xf32> to vector<1x1x1xf32>
      %reduce_sum3A_528 = vector.extract %reduce_sum3A_527[0, 0, 0] : f32 from vector<1x1x1xf32>
      %neg3A = arith.constant 0.000000e+00 : f32
      %neg3A_529 = arith.subf %neg3A, %reduce_sum3A_528 : f32
      %swap3A_530 = arith.constant 0 : index
      %swap3A_531 = arith.constant 0 : index
      %swap3A_532 = memref.load %arg7[%swap3A_530, %swap3A_531] : memref<1x1xf32, #tpu.memory_space<smem>>
      memref.store %neg3A_529, %arg7[%swap3A_530, %swap3A_531] : memref<1x1xf32, #tpu.memory_space<smem>>
    } else {
    }
    return
  }
  func.func @transform_0(%arg0: i32) -> (i32, i32) {
    %c0_i32 = arith.constant 0 : i32
    %c0_i32_0 = arith.constant 0 : i32
    return %arg0, %c0_i32 : i32, i32
  }
  func.func @transform_1(%arg0: i32) -> (i32, i32, i32) {
    %c0_i32 = arith.constant 0 : i32
    %c0_i32_0 = arith.constant 0 : i32
    %c0_i32_1 = arith.constant 0 : i32
    return %arg0, %c0_i32, %c0_i32_0 : i32, i32, i32
  }
  func.func @transform_2(%arg0: i32) -> (i32, i32) {
    %c0_i32 = arith.constant 0 : i32
    %c0_i32_0 = arith.constant 0 : i32
    return %arg0, %c0_i32 : i32, i32
  }
  func.func @transform_3(%arg0: i32) -> (i32, i32) {
    %c0_i32 = arith.constant 0 : i32
    %c0_i32_0 = arith.constant 0 : i32
    return %arg0, %c0_i32 : i32, i32
  }
  func.func @transform_4(%arg0: i32) -> (i32, i32, i32) {
    %c0_i32 = arith.constant 0 : i32
    %c0_i32_0 = arith.constant 0 : i32
    %c0_i32_1 = arith.constant 0 : i32
    return %arg0, %c0_i32, %c0_i32_0 : i32, i32, i32
  }
  func.func @transform_5(%arg0: i32) -> (i32, i32) {
    %c0_i32 = arith.constant 0 : i32
    %c0_i32_0 = arith.constant 0 : i32
    %c0_i32_1 = arith.constant 0 : i32
    return %c0_i32, %c0_i32_0 : i32, i32
  }
  func.func @transform_6(%arg0: i32) -> (i32, i32) {
    %c0_i32 = arith.constant 0 : i32
    %c0_i32_0 = arith.constant 0 : i32
    %c0_i32_1 = arith.constant 0 : i32
    return %c0_i32, %c0_i32_0 : i32, i32
  }
}

</mosaic_0001>

<sc_bundles>
// kernel: kernel.5.cloned.1.call-start
scs
__scs_entry_jumppad:
0x0: {  	(pc) =	sbr.rel $0x88, $3  }
0x1: {  	(tag) =	ssettag $0x0;
	lr =	simm.s32 $0x1  }
0x2: {  	[smem:$0x3F9F] =	sst lr;
	_ =	strace $0xD0000000  }
0x3: {  	_ = 	snop  }
0x4: {  	_ = 	snop  }
0x5: {  	_ = 	snop  }
0x6: {  	_ = 	snop  }
0x7: {  	_ = 	snop  }
__scs_overlays_trampoline_lowered:
0x8: {  	[smem:$0x3FAE] =	sst s0  }
0x9: {  	[smem:$0x3FAF] =	sst s1  }
0xa: {  	[smem:$0x3FB0] =	sst s2  }
0xb: {  	[smem:$0x3FB1] =	sst s3  }
0xc: {  	[smem:$0x3FB2] =	sst s4  }
0xd: {  	[smem:$0x3FB3] =	sst s5  }
0xe: {  	[smem:$0x3FB4] =	sst s6  }
0xf: {  	[smem:$0x3FB5] =	sst s7  }
0x10: {  	[smem:$0x3FB6] =	sst s8  }
0x11: {  	[smem:$0x3FB7] =	sst s9;
	s0 =	simm.s32 @!p0 $0x0  }
0x12: {  	s1 =	sld [smem:$0x3F9D];
	s0 =	simm.s32 @p0 $0x1  }
0x13: {  	[smem:$0x3FB8] =	sst s0;
	s0 =	simm.s32 @!p1 $0x0  }
0x14: {  	s2 =	sld [smem:$0x3F9C];
	s0 =	simm.s32 @p1 $0x1  }
0x15: {  	[smem:$0x3FB9] =	sst s0;
	s0 =	simm.s32 @!p2 $0x0  }
0x16: {  	s3 =	sld [smem:$0x3FDB];
	s0 =	simm.s32 @p2 $0x1  }
0x17: {  	s4 =	simm.s32 $0x1BF5;
	[smem:$0x3FBB] =	sst s0  }
0x18: {  	s0 =	sld [smem:$0x3F9E];
	_ =	swait.ge [sflag:s4], $0x0  }
0x19: {  	s7 =	sld [smem:$0x3F9F]  }
0x1a: {  	s8 =	sadd.s32 $0xFFFFE003, lr  }
0x1b: {  	s9 =	sadd.s32 $0xFFFFFEF7, lr;
	s5 =	simm.s32 $0xFFFFFFFF;
	p2 =	slt.u32 s8, $0xFFFFF086  }
0x1c: {  	p1 =	slt.u32 s9, $0xF7A;
	s5 =	simm.s32 @!p2 $0x0  }
0x1d: {  	s5 =	simm.s32 @p1 $0x1;
	p0 =	seq.s32 s7, s2  }
0x1e: {  	s7 =	smul.u32 @!p0 $0xF7A, s2;
	p2 =	seq.s32 @!p0 s5, $0x0  }
0x1f: {  	s9 =	smul.u32 $0xF7A, s1;
	s8 =	simm.s32 @!p0 $0x1BF5;
	p2 =	por !p2, p0  }
0x20: {  	[sflag:s8] =	ssyncset.s32 @!p0 $0xFFFFF086;
	s6 =	sadd.s32 @!p0 s3, s7;
	s7 =	simm.s32 @!p0 $0x108  }
0x21: {  	s3 =	sadd.s32 s3, s9;
	s6 =	sadd.s32 @!p0 $0x88, s6;
	s7 =	simm.s32 @p2 $0x1082  }
0x22: {  	[simem:s7], [sflag:s8] =	dma.local @!p0 [hbm:s6], $0xF7A  }
0x23: {  	s9 =	sor.u32 $0xD0000000, s2;
	s6 =	simm.s32 $0x108;
	_ =	swait.ge @!p0 [sflag:s8], $0x0  }
0x24: {  	s3 =	sadd.s32 $0x88, s3;
	s6 =	simm.s32 @!p1 $0x1082;
	[sflag:s4] =	ssyncset.s32 $0xFFFFF086  }
0x25: {  	[simem:s6], [sflag:s4] =	dma.local [hbm:s3], $0xF7A  }
0x26: {  	[smem:$0x3F9F] =	sst s1;
	(tag) =	ssettag s2;
	_ =	strace s9  }
0x27: {  	s1 =	sld [smem:$0x3FAF]  }
0x28: {  	s2 =	sld [smem:$0x3FB0]  }
0x29: {  	s4 =	sld [smem:$0x3FB2]  }
0x2a: {  	p0 =	seq.s32 s5, $0x0;
	s5 =	sld [smem:$0x3FB3]  }
0x2b: {  	s6 =	sld [smem:$0x3FB4]  }
0x2c: {  	s7 =	sld [smem:$0x3FB5]  }
0x2d: {  	s3 =	simm.s32 $0x108;
	s8 =	sld [smem:$0x3FB6]  }
0x2e: {  	s3 =	simm.s32 @!p0 $0x1082;
	s9 =	sld [smem:$0x3FB7]  }
0x2f: {  	lr =	sadd.s32 s0, s3;
	s0 =	sld [smem:$0x3FAE]  }
0x30: {  	s3 =	sld [smem:$0x3FB1]  }
0x31: {  	[smem:$0x3FBA] =	sst s10  }
0x32: {  	s10 =	sld [smem:$0x3FB8];
	_ =	sdelay $0x3  }
0x33: {  	p0 =	seq.s32 s10, $0x1;
	s10 =	sld [smem:$0x3FBA];
	_ =	sdelay $0x3  }
0x34: {  	[smem:$0x3FBA] =	sst s10  }
0x35: {  	s10 =	sld [smem:$0x3FB9];
	_ =	sdelay $0x3  }
0x36: {  	p1 =	seq.s32 s10, $0x1;
	s10 =	sld [smem:$0x3FBA];
	_ =	sdelay $0x3  }
0x37: {  	[smem:$0x3FBA] =	sst s10  }
0x38: {  	s10 =	sld [smem:$0x3FBB]  }
0x39: {  	_ = 	snop;
	(pc) =	sbr.ind lr, $3  }
0x3a: {  	_ = 	snop  }
0x3b: {  	_ = 	snop  }
0x3c: {  	p2 =	seq.s32 s10, $0x1;
	s10 =	sld [smem:$0x3FBA]  }
0x3d: {  	_ =	shalt  }
0x3e: {  	_ =	shalt  }
0x3f: {  	_ =	shalt  }
0x40: {  	_ =	shalt  }
0x41: {  	_ =	shalt  }
0x42: {  	_ =	shalt  }
0x43: {  	_ =	shalt  }
0x44: {  	_ =	shalt  }
0x45: {  	_ =	shalt  }
0x46: {  	_ =	shalt  }
0x47: {  	_ =	shalt  }
0x48: {  	_ =	shalt  }
0x49: {  	_ =	shalt  }
0x4a: {  	_ =	shalt  }
0x4b: {  	_ =	shalt  }
0x4c: {  	_ =	shalt  }
0x4d: {  	_ =	shalt  }
0x4e: {  	_ =	shalt  }
0x4f: {  	_ =	shalt  }
0x50: {  	_ =	shalt  }
0x51: {  	_ =	shalt  }
0x52: {  	_ =	shalt  }
0x53: {  	_ =	shalt  }
0x54: {  	_ =	shalt  }
0x55: {  	_ =	shalt  }
0x56: {  	_ =	shalt  }
0x57: {  	_ =	shalt  }
0x58: {  	_ =	shalt  }
0x59: {  	_ =	shalt  }
0x5a: {  	_ =	shalt  }
0x5b: {  	_ =	shalt  }
0x5c: {  	_ =	shalt  }
0x5d: {  	_ =	shalt  }
0x5e: {  	_ =	shalt  }
0x5f: {  	_ =	shalt  }
0x60: {  	_ =	shalt  }
0x61: {  	_ =	shalt  }
0x62: {  	_ =	shalt  }
0x63: {  	_ =	shalt  }
0x64: {  	_ =	shalt  }
0x65: {  	_ =	shalt  }
0x66: {  	_ =	shalt  }
0x67: {  	_ =	shalt  }
0x68: {  	_ =	shalt  }
0x69: {  	_ =	shalt  }
0x6a: {  	_ =	shalt  }
0x6b: {  	_ =	shalt  }
0x6c: {  	_ =	shalt  }
0x6d: {  	_ =	shalt  }
0x6e: {  	_ =	shalt  }
0x6f: {  	_ =	shalt  }
0x70: {  	_ =	shalt  }
0x71: {  	_ =	shalt  }
0x72: {  	_ =	shalt  }
0x73: {  	_ =	shalt  }
0x74: {  	_ =	shalt  }
0x75: {  	_ =	shalt  }
0x76: {  	_ =	shalt  }
0x77: {  	_ =	shalt  }
0x78: {  	_ =	shalt  }
0x79: {  	_ =	shalt  }
0x7a: {  	_ =	shalt  }
0x7b: {  	_ =	shalt  }
0x7c: {  	_ =	shalt  }
0x7d: {  	_ =	shalt  }
0x7e: {  	_ =	shalt  }
0x7f: {  	_ =	shalt  }
0x80: {  	_ =	shalt  }
0x81: {  	_ =	shalt  }
0x82: {  	_ =	shalt  }
0x83: {  	_ =	shalt  }
0x84: {  	_ =	shalt  }
0x85: {  	_ =	shalt  }
0x86: {  	_ =	shalt  }
0x87: {  	_ =	shalt  }
.Lfunc_end0:
.L_simem_size_0:
called_computation_lowered:
.L_overlay_start_0:
0x88: {  	s2 =	sld [smem:$0x3FD9]  }
0x89: {  	s3 =	sld [smem:$0x3FFE];
	_ =	sdelay $0x1  }
0x8a: {  	s1 =	srdreg.scid  }
0x8b: {  	s0 =	sand.u32 $0x1, s1  }
0x8c: {  	s14 =	sshll.u32 s0, $0xA;
	s2 =	sadd.s32 s3, s2  }
0x8d: {  	s2 =	sadd.s32 s2, s14  }
0x8e: {  	[smem:$0x3FC6] =	sst s2  }
0x8f: {  	_ = 	snop  }
0x90: {  	s2 =	sld [smem:$0x3FD0];
	_ =	sdelay $0x2  }
0x91: {  	s4 =	simm.s32 $0xA;
	s5 =	simm.s32 $0x10;
	s15 =	sld [smem:$0x3FC8]  }
0x92: {  	[smem:s5], [sflag:s4] =	dma.local [hbm:s2], $0x1  }
0x93: {  	_ =	swait.eq [sflag:s4], $0x1  }
0x94: {  	[sflag:s4] =	ssyncset.done $0x0  }
0x95: {  	[sflag:s4] =	ssyncadd.s32 $0xFFFFFFFF  }
0x96: {  	s16 =	sld [smem:$0x10];
	(tm) =	ssettm $0x1  }
0x97: {  	s17 =	sld [smem:$0x3FFB];
	_ =	sdelay $0x3  }
0x98: {  	_ =	strace s17  }
0x99: {  	s4 =	sld [smem:$0x3FFC];
	_ =	sdelay $0x3  }
0x9a: {  	_ =	strace s4  }
0x9b: {  	s4 =	sld [smem:$0x3FFD];
	_ =	sdelay $0x3  }
0x9c: {  	_ =	strace s4  }
0x9d: {  	_ =	strace $0x8FFFFFFF  }
0x9e: {  	s18 =	sld [smem:$0x3FDB];
	_ =	sdelay $0x1  }
0x9f: {  	s19 =	simm.s32 $_scs_section_size  }
0xa0: {  	s6 =	simm.s32 $_size__tile_overlayer_lowered;
	s7 =	simm.s32 $_tile_overlayer_lowered  }
0xa1: {  	s22 =	simm.s32 $0x1BFF;
	s21 =	sshll.u32 s7, $0x1;
	s4 =	sadd.s32 s19, s18  }
0xa2: {  	s8 =	simm.s32 $0x0;
	s20 =	sshll.u32 s6, $0x1;
	s6 =	sadd.s32 s21, s4  }
0xa3: {  	[timem:s8], [sflag:s22] =	dma.local [hbm:s6], s20  }
0xa4: {  	_ =	swait.ge [sflag:s22], s20  }
0xa5: {  	s5 =	ssub.s32 $0x0, s20;
	[sflag:s22] =	ssyncset.done $0x0  }
0xa6: {  	[sflag:s22] =	ssyncadd.s32 s5;
	_ =	sdelay $0x1  }
0xa7: {  	s23 =	simm.s32 $0x1B8B  }
0xa8: {  	_ =	swait.ge [sflag:s23], $0x1  }
0xa9: {  	[sflag:s23] =	ssyncset.done $0x0  }
0xaa: {  	s25 =	simm.s32 $0x1B8E;
	s24 =	sld [smem:$0x3FFE];
	[sflag:s23] =	ssyncadd.s32 $0xFFFFFFFF  }
0xab: {  	s26 =	simm.s32 $execute0_lowered;
	[smem:$0x3FD2] =	sst s25  }
0xac: {  	s6 =	sshll.u32 s26, $0x1;
	_ =	strace $0x80000046;
	[dreg:$0x1] =	wrdreg $0xFFFFFFFF  }
0xad: {  	s28 =	simm.s32 $_size_execute0_lowered;
	s4 =	sadd.s32 s4, s6;
	[dreg:$0x0] =	wrdreg $0x0  }
0xae: {  	s6 =	sshll.u32 s28, $0x1;
	[dreg:$0x2] =	wrdreg s4  }
0xaf: {  	[dreg:$0x3] =	wrdreg s6  }
0xb0: {  	[dreg:$0x4] =	wrdreg $0xC0  }
0xb1: {  	_ =	task [dreg:s8], $0x5FFFF  }
0xb2: {  	[dreg:$0x1] =	wrdreg $0xFFFFFFFF  }
0xb3: {  	[dreg:$0x0] =	wrdreg $0x60  }
0xb4: {  	[dreg:$0x2] =	wrdreg s15  }
0xb5: {  	[dreg:$0x3] =	wrdreg s16  }
0xb6: {  	[dreg:$0x4] =	wrdreg s24  }
0xb7: {  	[dreg:$0x5] =	wrdreg $0x9  }
0xb8: {  	_ =	task.clear_ibuf [dreg:s8], $0x6FFFF;
	_ =	strace $0x90000046  }
0xb9: {  	s29 =	simm.s32 $0x9;
	_ =	strace $0x80000048  }
0xba: {  	_ =	swait.ge [sflag:s29], $0x1  }
0xbb: {  	[sflag:s29] =	ssyncadd.s32 $0xFFFFFFFF  }
0xbc: {  	_ =	strace $0x90000048  }
0xbd: {  	_ =	sfence  }
0xbe: {  	s30 =	sld [smem:$0x0];
	_ =	sdelay $0x2  }
0xbf: {  	s31 =	sshll.u32 s1, $0xD;
	s1 =	sshrl.u32 s1, $0x2  }
0xc0: {  	s3 =	sand.u32 $0x4000, s31;
	s1 =	sadd.s32 s1, s30  }
0xc1: {  	s0 =	sor.u32 s3, s0;
	s1 =	sshll.u32 s1, $0x11  }
0xc2: {  	s0 =	sor.u32 s1, s0  }
0xc3: {  	s0 =	sadd.s32 $0x8F2B, s0  }
0xc4: {  	[sflag:s0] =	ssyncadd.remote.s32 $0x1  }
0xc5: {  	_ =	sfence.sel $0xFFFF  }
0xc6: {  	[dreg:$0x0] =	wrdreg $0xFFFFFFFF;
	(pc) =	sbr.abs _section_cstart, $3  }
0xc7: {  	[dreg:$0x1] =	wrdreg $0xFFFFFFFF  }
0xc8: {  	_ =	task.clear_ibuf [dreg:s8], $0x2FFFF;
	_ =	strace $0x9FFFFFFF  }
0xc9: {  	(tm) =	ssettm $0x7FFFFFFF  }
tec
execute0_lowered:
.L_overlay_start_1:
0x0: {  	(tag) =	ssettag $0x1  }
0x1: {  	s1 =	rddreg [dreg:$0x0]  }
0x2: {  	s0 =	srdreg.scid;
	s2 =	rddreg [dreg:$0x1]  }
0x3: {  	s3 =	stileid.u32;
	s4 =	rddreg [dreg:$0x2]  }
0x4: {  	s29 =	simm.s32 $0x100;
	s0 =	sand.u32 $0x1, s0;
	s3 =	sshll.u32 s3, $0x1  }
0x5: {  	s4 =	sadd.s32 $0x600, s4;
	s5 =	sor.u32 s0, s3;
	s3 =	simm.s32 $0x0  }
0x6: {  	s0 =	ssub.s32 $0x2, s0;
	s6 =	smul.u32 $0x360, s5;
	[smem:$0x7FF] =	sst s3  }
0x7: {  	s5 =	smul.u32 $0x6C00, s5;
	s30 =	sshrl.u32 s0, $0x1;
	_ =	strace $0x80000047  }
0x8: {  	s0 =	ssub.s32 s0, s30;
	s7 =	sshrl.u32 s6, $0x3;
	s8 =	sadd.s32 $0xD8, s6  }
0x9: {  	s5 =	sadd.s32 s4, s5;
	s23 =	sadd.s32 $0x1B0, s6;
	s6 =	sadd.s32 $0x288, s6  }
0xa: {  	s7 =	sadd.s32 s2, s7;
	s19 =	sshrl.u32 s8, $0x3;
	[dreg:$0x5] =	wrdreg s5  }
0xb: {  	s21 =	sshll.u32 s8, $0x5;
	[dreg:$0x4] =	wrdreg s7;
	s20 =	sadd.s32 s2, s19  }
0xc: {  	s24 =	sshrl.u32 s23, $0x3;
	s22 =	sadd.s32 s4, s21;
	[dreg:$0x6] =	wrdreg s20  }
0xd: {  	s26 =	sshrl.u32 s6, $0x3;
	s5 =	sadd.s32 s2, s24;
	[dreg:$0x7] =	wrdreg s22  }
0xe: {  	s28 =	sshll.u32 s6, $0x5;
	s2 =	sadd.s32 s2, s26;
	[dreg:$0x8] =	wrdreg s5  }
0xf: {  	v2 =	vlaneseq.u32;
	s7 =	sshll.u32 s23, $0x5;
	s31 =	sadd.s32 s4, s28;
	[dreg:$0xa] =	wrdreg s2  }
0x10: {  	vm0 =	vmmov $0xffff;
	v1 =	vshrl.u32 v2, $0x3;
	s25 =	sadd.s32 s4, s7;
	[dreg:$0xb] =	wrdreg s31;
	s4 =	smax.u32 s0, $0x1  }
0x11: {  	v0 =	vand.u32 $0x7, v2;
	v2 =	vor.u32 $0x8, v2;
	v1 =	vmul.u32 $0x8, v1;
	s5 =	simm.s32 $0x2;
	s7 =	simm.s32 $0x1;
	[dreg:$0x9] =	wrdreg s25  }
.LBB2_1:
0x12: {  	s8 =	rddreg [dreg:$0x4]  }
0x13: {  	[tilespmem:s3], [sflag:$0x2] =	stream.linear.gather [hbm4b:s8+s3], $0xD8, $0x38;
	[tilespmem:$0xD900] =	vst v63  }
0x14: {  	_ =	swait.ge [sflag:s5], $0xD8  }
0x15: {  	[sflag:s5] =	ssyncset.done $0x0  }
0x16: {  	[sflag:s5] =	ssyncadd.s32 $0xFFFFFF28  }
0x17: {  	v3 =	vld [tilespmem:$0x0];
	_ =	sdelay $0x4  }
0x18: {  	v4 =	vshll.u32 v3, $0x1  }
0x19: {  	v3 =	vand.u32 $0x7, v3;
	v4 =	vand.u32 $0xFFFFFFF0, v4  }
0x1a: {  	v3 =	vor.u32 v3, v4  }
0x1b: {  	v4 =	vperm.xlane v3, v0;
	_ =	sdelay $0x1  }
0x1c: {  	v3 =	vperm.xlane v3, v2;
	v4 =	vadd.s32 v1, v4;
	_ =	sdelay $0x1  }
0x1d: {  	v3 =	vadd.s32 v1, v3;
	_ =	sdelay $0x2  }
0x1e: {  	[tilespmem:s29], [sflag:$0x1] =	stream.indirect_vreg.gather [hbm4b:s1+s3], $0x80, v4, vm0, $0xb8;
	[tilespmem:$0xD900] =	vst v63  }
0x1f: {  	s0 =	simm.s32 $0x900  }
0x20: {  	[tilespmem:s0], [sflag:$0x1] =	stream.indirect_vreg.gather [hbm4b:s1+s3], $0x80, v3, vm0, $0xb8;
	[tilespmem:$0xD900] =	vst v63  }
0x21: {  	v3 =	vld [tilespmem:$0x10];
	_ =	sdelay $0x4  }
0x22: {  	v9 =	vshll.u32 v3, $0x1  }
0x23: {  	v3 =	vand.u32 $0x7, v3;
	v4 =	vand.u32 $0xFFFFFFF0, v9  }
0x24: {  	v3 =	vor.u32 v3, v4  }
0x25: {  	v4 =	vperm.xlane v3, v0;
	_ =	sdelay $0x1  }
0x26: {  	v3 =	vperm.xlane v3, v2;
	v4 =	vadd.s32 v1, v4;
	_ =	sdelay $0x1  }
0x27: {  	v3 =	vadd.s32 v1, v3;
	_ =	sdelay $0x1  }
0x28: {  	s24 =	simm.s32 $0x1100  }
0x29: {  	[tilespmem:s24], [sflag:$0x1] =	stream.indirect_vreg.gather [hbm4b:s1+s3], $0x80, v4, vm0, $0xb8;
	[tilespmem:$0xD900] =	vst v63  }
0x2a: {  	s25 =	simm.s32 $0x1900  }
0x2b: {  	[tilespmem:s25], [sflag:$0x1] =	stream.indirect_vreg.gather [hbm4b:s1+s3], $0x80, v3, vm0, $0xb8;
	[tilespmem:$0xD900] =	vst v63  }
0x2c: {  	v3 =	vld [tilespmem:$0x20];
	_ =	sdelay $0x4  }
0x2d: {  	v10 =	vshll.u32 v3, $0x1  }
0x2e: {  	v3 =	vand.u32 $0x7, v3;
	v4 =	vand.u32 $0xFFFFFFF0, v10  }
0x2f: {  	v3 =	vor.u32 v3, v4  }
0x30: {  	v4 =	vperm.xlane v3, v0;
	_ =	sdelay $0x1  }
0x31: {  	v3 =	vperm.xlane v3, v2;
	v4 =	vadd.s32 v1, v4;
	_ =	sdelay $0x1  }
0x32: {  	v3 =	vadd.s32 v1, v3;
	_ =	sdelay $0x1  }
0x33: {  	s26 =	simm.s32 $0x2100  }
0x34: {  	[tilespmem:s26], [sflag:$0x1] =	stream.indirect_vreg.gather [hbm4b:s1+s3], $0x80, v4, vm0, $0xb8;
	[tilespmem:$0xD900] =	vst v63  }
0x35: {  	s28 =	simm.s32 $0x2900  }
0x36: {  	[tilespmem:s28], [sflag:$0x1] =	stream.indirect_vreg.gather [hbm4b:s1+s3], $0x80, v3, vm0, $0xb8;
	[tilespmem:$0xD900] =	vst v63  }
0x37: {  	v3 =	vld [tilespmem:$0x30];
	_ =	sdelay $0x4  }
0x38: {  	v11 =	vshll.u32 v3, $0x1  }
0x39: {  	v3 =	vand.u32 $0x7, v3;
	v4 =	vand.u32 $0xFFFFFFF0, v11  }
0x3a: {  	v3 =	vor.u32 v3, v4  }
0x3b: {  	v4 =	vperm.xlane v3, v0;
	_ =	sdelay $0x1  }
0x3c: {  	v3 =	vperm.xlane v3, v2;
	v4 =	vadd.s32 v1, v4;
	_ =	sdelay $0x1  }
0x3d: {  	v3 =	vadd.s32 v1, v3;
	_ =	sdelay $0x1  }
0x3e: {  	s30 =	simm.s32 $0x3100  }
0x3f: {  	[tilespmem:s30], [sflag:$0x1] =	stream.indirect_vreg.gather [hbm4b:s1+s3], $0x80, v4, vm0, $0xb8;
	[tilespmem:$0xD900] =	vst v63  }
0x40: {  	s31 =	simm.s32 $0x3900  }
0x41: {  	[tilespmem:s31], [sflag:$0x1] =	stream.indirect_vreg.gather [hbm4b:s1+s3], $0x80, v3, vm0, $0xb8;
	[tilespmem:$0xD900] =	vst v63  }
0x42: {  	v3 =	vld [tilespmem:$0x40];
	_ =	sdelay $0x4  }
0x43: {  	v12 =	vshll.u32 v3, $0x1  }
0x44: {  	v3 =	vand.u32 $0x7, v3;
	v4 =	vand.u32 $0xFFFFFFF0, v12  }
0x45: {  	v3 =	vor.u32 v3, v4  }
0x46: {  	v4 =	vperm.xlane v3, v0;
	_ =	sdelay $0x1  }
0x47: {  	v3 =	vperm.xlane v3, v2;
	v4 =	vadd.s32 v1, v4;
	_ =	sdelay $0x1  }
0x48: {  	v3 =	vadd.s32 v1, v3;
	_ =	sdelay $0x1  }
0x49: {  	s6 =	simm.s32 $0x4100  }
0x4a: {  	[tilespmem:s6], [sflag:$0x1] =	stream.indirect_vreg.gather [hbm4b:s1+s3], $0x80, v4, vm0, $0xb8;
	[tilespmem:$0xD900] =	vst v63  }
0x4b: {  	s8 =	simm.s32 $0x4900  }
0x4c: {  	[tilespmem:s8], [sflag:$0x1] =	stream.indirect_vreg.gather [hbm4b:s1+s3], $0x80, v3, vm0, $0xb8;
	[tilespmem:$0xD900] =	vst v63  }
0x4d: {  	v3 =	vld [tilespmem:$0x50];
	_ =	sdelay $0x4  }
0x4e: {  	v13 =	vshll.u32 v3, $0x1  }
0x4f: {  	v3 =	vand.u32 $0x7, v3;
	v4 =	vand.u32 $0xFFFFFFF0, v13  }
0x50: {  	v3 =	vor.u32 v3, v4  }
0x51: {  	v4 =	vperm.xlane v3, v0;
	_ =	sdelay $0x1  }
0x52: {  	v3 =	vperm.xlane v3, v2;
	v4 =	vadd.s32 v1, v4;
	_ =	sdelay $0x1  }
0x53: {  	v3 =	vadd.s32 v1, v3;
	_ =	sdelay $0x1  }
0x54: {  	s9 =	simm.s32 $0x5100  }
0x55: {  	[tilespmem:s9], [sflag:$0x1] =	stream.indirect_vreg.gather [hbm4b:s1+s3], $0x80, v4, vm0, $0xb8;
	[tilespmem:$0xD900] =	vst v63  }
0x56: {  	s10 =	simm.s32 $0x5900  }
0x57: {  	[tilespmem:s10], [sflag:$0x1] =	stream.indirect_vreg.gather [hbm4b:s1+s3], $0x80, v3, vm0, $0xb8;
	[tilespmem:$0xD900] =	vst v63  }
0x58: {  	v3 =	vld [tilespmem:$0x60];
	_ =	sdelay $0x4  }
0x59: {  	v14 =	vshll.u32 v3, $0x1  }
0x5a: {  	v3 =	vand.u32 $0x7, v3;
	v4 =	vand.u32 $0xFFFFFFF0, v14  }
0x5b: {  	v3 =	vor.u32 v3, v4  }
0x5c: {  	v4 =	vperm.xlane v3, v0;
	_ =	sdelay $0x1  }
0x5d: {  	v3 =	vperm.xlane v3, v2;
	v4 =	vadd.s32 v1, v4;
	_ =	sdelay $0x1  }
0x5e: {  	v3 =	vadd.s32 v1, v3;
	_ =	sdelay $0x1  }
0x5f: {  	s11 =	simm.s32 $0x6100  }
0x60: {  	[tilespmem:s11], [sflag:$0x1] =	stream.indirect_vreg.gather [hbm4b:s1+s3], $0x80, v4, vm0, $0xb8;
	[tilespmem:$0xD900] =	vst v63  }
0x61: {  	s12 =	simm.s32 $0x6900  }
0x62: {  	[tilespmem:s12], [sflag:$0x1] =	stream.indirect_vreg.gather [hbm4b:s1+s3], $0x80, v3, vm0, $0xb8;
	[tilespmem:$0xD900] =	vst v63  }
0x63: {  	v3 =	vld [tilespmem:$0x70];
	_ =	sdelay $0x4  }
0x64: {  	v15 =	vshll.u32 v3, $0x1  }
0x65: {  	v3 =	vand.u32 $0x7, v3;
	v4 =	vand.u32 $0xFFFFFFF0, v15  }
0x66: {  	v3 =	vor.u32 v3, v4  }
0x67: {  	v4 =	vperm.xlane v3, v0;
	_ =	sdelay $0x1  }
0x68: {  	v3 =	vperm.xlane v3, v2;
	v4 =	vadd.s32 v1, v4;
	_ =	sdelay $0x1  }
0x69: {  	v3 =	vadd.s32 v1, v3;
	_ =	sdelay $0x1  }
0x6a: {  	s13 =	simm.s32 $0x7100  }
0x6b: {  	[tilespmem:s13], [sflag:$0x1] =	stream.indirect_vreg.gather [hbm4b:s1+s3], $0x80, v4, vm0, $0xb8;
	[tilespmem:$0xD900] =	vst v63  }
0x6c: {  	s14 =	simm.s32 $0x7900  }
0x6d: {  	[tilespmem:s14], [sflag:$0x1] =	stream.indirect_vreg.gather [hbm4b:s1+s3], $0x80, v3, vm0, $0xb8;
	[tilespmem:$0xD900] =	vst v63  }
0x6e: {  	v3 =	vld [tilespmem:$0x80];
	_ =	sdelay $0x4  }
0x6f: {  	v16 =	vshll.u32 v3, $0x1  }
0x70: {  	v3 =	vand.u32 $0x7, v3;
	v4 =	vand.u32 $0xFFFFFFF0, v16  }
0x71: {  	v3 =	vor.u32 v3, v4  }
0x72: {  	v4 =	vperm.xlane v3, v0;
	_ =	sdelay $0x1  }
0x73: {  	v3 =	vperm.xlane v3, v2;
	v4 =	vadd.s32 v1, v4;
	_ =	sdelay $0x1  }
0x74: {  	v3 =	vadd.s32 v1, v3;
	_ =	sdelay $0x1  }
0x75: {  	s15 =	simm.s32 $0x8100  }
0x76: {  	[tilespmem:s15], [sflag:$0x1] =	stream.indirect_vreg.gather [hbm4b:s1+s3], $0x80, v4, vm0, $0xb8;
	[tilespmem:$0xD900] =	vst v63  }
0x77: {  	s16 =	simm.s32 $0x8900  }
0x78: {  	[tilespmem:s16], [sflag:$0x1] =	stream.indirect_vreg.gather [hbm4b:s1+s3], $0x80, v3, vm0, $0xb8;
	[tilespmem:$0xD900] =	vst v63  }
0x79: {  	v3 =	vld [tilespmem:$0x90];
	_ =	sdelay $0x4  }
0x7a: {  	v17 =	vshll.u32 v3, $0x1  }
0x7b: {  	v3 =	vand.u32 $0x7, v3;
	v4 =	vand.u32 $0xFFFFFFF0, v17  }
0x7c: {  	v3 =	vor.u32 v3, v4  }
0x7d: {  	v4 =	vperm.xlane v3, v0;
	_ =	sdelay $0x1  }
0x7e: {  	v3 =	vperm.xlane v3, v2;
	v4 =	vadd.s32 v1, v4;
	_ =	sdelay $0x1  }
0x7f: {  	v3 =	vadd.s32 v1, v3;
	_ =	sdelay $0x1  }
0x80: {  	s17 =	simm.s32 $0x9100  }
0x81: {  	[tilespmem:s17], [sflag:$0x1] =	stream.indirect_vreg.gather [hbm4b:s1+s3], $0x80, v4, vm0, $0xb8;
	[tilespmem:$0xD900] =	vst v63  }
0x82: {  	s18 =	simm.s32 $0x9900  }
0x83: {  	[tilespmem:s18], [sflag:$0x1] =	stream.indirect_vreg.gather [hbm4b:s1+s3], $0x80, v3, vm0, $0xb8;
	[tilespmem:$0xD900] =	vst v63  }
0x84: {  	v3 =	vld [tilespmem:$0xA0];
	_ =	sdelay $0x4  }
0x85: {  	v18 =	vshll.u32 v3, $0x1  }
0x86: {  	v3 =	vand.u32 $0x7, v3;
	v4 =	vand.u32 $0xFFFFFFF0, v18  }
0x87: {  	v3 =	vor.u32 v3, v4  }
0x88: {  	v4 =	vperm.xlane v3, v0;
	_ =	sdelay $0x1  }
0x89: {  	v3 =	vperm.xlane v3, v2;
	v4 =	vadd.s32 v1, v4;
	_ =	sdelay $0x1  }
0x8a: {  	v3 =	vadd.s32 v1, v3;
	_ =	sdelay $0x1  }
0x8b: {  	s19 =	simm.s32 $0xA100  }
0x8c: {  	[tilespmem:s19], [sflag:$0x1] =	stream.indirect_vreg.gather [hbm4b:s1+s3], $0x80, v4, vm0, $0xb8;
	[tilespmem:$0xD900] =	vst v63  }
0x8d: {  	s20 =	simm.s32 $0xA900  }
0x8e: {  	[tilespmem:s20], [sflag:$0x1] =	stream.indirect_vreg.gather [hbm4b:s1+s3], $0x80, v3, vm0, $0xb8;
	[tilespmem:$0xD900] =	vst v63  }
0x8f: {  	v3 =	vld [tilespmem:$0xB0];
	_ =	sdelay $0x4  }
0x90: {  	v19 =	vshll.u32 v3, $0x1  }
0x91: {  	v3 =	vand.u32 $0x7, v3;
	v4 =	vand.u32 $0xFFFFFFF0, v19  }
0x92: {  	v3 =	vor.u32 v3, v4  }
0x93: {  	v4 =	vperm.xlane v3, v0;
	_ =	sdelay $0x1  }
0x94: {  	v3 =	vperm.xlane v3, v2;
	v4 =	vadd.s32 v1, v4;
	_ =	sdelay $0x1  }
0x95: {  	v3 =	vadd.s32 v1, v3;
	_ =	sdelay $0x1  }
0x96: {  	s21 =	simm.s32 $0xB100  }
0x97: {  	[tilespmem:s21], [sflag:$0x1] =	stream.indirect_vreg.gather [hbm4b:s1+s3], $0x80, v4, vm0, $0xb8;
	[tilespmem:$0xD900] =	vst v63  }
0x98: {  	s22 =	simm.s32 $0xB900  }
0x99: {  	[tilespmem:s22], [sflag:$0x1] =	stream.indirect_vreg.gather [hbm4b:s1+s3], $0x80, v3, vm0, $0xb8;
	[tilespmem:$0xD900] =	vst v63  }
0x9a: {  	v3 =	vld [tilespmem:$0xC0];
	_ =	sdelay $0x4  }
0x9b: {  	v20 =	vshll.u32 v3, $0x1  }
0x9c: {  	v3 =	vand.u32 $0x7, v3;
	v4 =	vand.u32 $0xFFFFFFF0, v20  }
0x9d: {  	v3 =	vor.u32 v3, v4  }
0x9e: {  	v4 =	vperm.xlane v3, v0;
	_ =	sdelay $0x1  }
0x9f: {  	v3 =	vperm.xlane v3, v2;
	v4 =	vadd.s32 v1, v4;
	_ =	sdelay $0x1  }
0xa0: {  	v3 =	vadd.s32 v1, v3;
	_ =	sdelay $0x1  }
0xa1: {  	s23 =	simm.s32 $0xC100  }
0xa2: {  	[tilespmem:s23], [sflag:$0x1] =	stream.indirect_vreg.gather [hbm4b:s1+s3], $0x80, v4, vm0, $0xb8;
	[tilespmem:$0xD900] =	vst v63  }
0xa3: {  	s24 =	simm.s32 $0xC900  }
0xa4: {  	[tilespmem:s24], [sflag:$0x1] =	stream.indirect_vreg.gather [hbm4b:s1+s3], $0x80, v3, vm0, $0xb8;
	[tilespmem:$0xD900] =	vst v63  }
0xa5: {  	v3 =	vld.msk [tilespmem:$0xD0], $0xff;
	_ =	sdelay $0x4  }
0xa6: {  	v21 =	vshll.u32 v3, $0x1  }
0xa7: {  	v3 =	vand.u32 $0x7, v3;
	v4 =	vand.u32 $0xFFFFFFF0, v21  }
0xa8: {  	v3 =	vor.u32 v3, v4  }
0xa9: {  	v3 =	vperm.xlane v3, v0;
	_ =	sdelay $0x1  }
0xaa: {  	v3 =	vadd.s32 v1, v3;
	_ =	sdelay $0x3  }
0xab: {  	s25 =	simm.s32 $0xD100  }
0xac: {  	[tilespmem:s25], [sflag:$0x1] =	stream.indirect_vreg.gather [hbm4b:s1+s3], $0x80, v3, vm0, $0xb8;
	[tilespmem:$0xD900] =	vst v63  }
0xad: {  	_ =	swait.ge [sflag:s7], $0xD800  }
0xae: {  	[sflag:s7] =	ssyncset.done $0x0  }
0xaf: {  	s26 =	rddreg [dreg:$0x5];
	[sflag:s7] =	ssyncadd.s32 $0xFFFF2800  }
0xb0: {  	[hbm4b:s26+s3] =	stream.linear.scatter [tilespmem:s29], [sflag:$0x2], $0xD800, $0x38;
	[tilespmem:$0xD900] =	vst v63  }
0xb1: {  	_ =	swait.ge [sflag:s5], $0xD800  }
0xb2: {  	[sflag:s5] =	ssyncset.done $0x0  }
0xb3: {  	s28 =	rddreg [dreg:$0x6];
	[sflag:s5] =	ssyncadd.s32 $0xFFFF2800  }
0xb4: {  	[tilespmem:s3], [sflag:$0x2] =	stream.linear.gather [hbm4b:s28+s3], $0xD8, $0x38;
	[tilespmem:$0xD900] =	vst v63  }
0xb5: {  	_ =	swait.ge [sflag:s5], $0xD8  }
0xb6: {  	[sflag:s5] =	ssyncset.done $0x0  }
0xb7: {  	[sflag:s5] =	ssyncadd.s32 $0xFFFFFF28  }
0xb8: {  	v3 =	vld [tilespmem:$0x0];
	_ =	sdelay $0x4  }
0xb9: {  	v22 =	vshll.u32 v3, $0x1  }
0xba: {  	v3 =	vand.u32 $0x7, v3;
	v4 =	vand.u32 $0xFFFFFFF0, v22  }
0xbb: {  	v3 =	vor.u32 v3, v4  }
0xbc: {  	v4 =	vperm.xlane v3, v0;
	_ =	sdelay $0x1  }
0xbd: {  	v3 =	vperm.xlane v3, v2;
	v4 =	vadd.s32 v1, v4;
	_ =	sdelay $0x1  }
0xbe: {  	v3 =	vadd.s32 v1, v3;
	_ =	sdelay $0x2  }
0xbf: {  	[tilespmem:s29], [sflag:$0x1] =	stream.indirect_vreg.gather [hbm4b:s1+s3], $0x80, v4, vm0, $0xb8;
	[tilespmem:$0xD900] =	vst v63  }
0xc0: {  	s2 =	simm.s32 $0x900  }
0xc1: {  	[tilespmem:s2], [sflag:$0x1] =	stream.indirect_vreg.gather [hbm4b:s1+s3], $0x80, v3, vm0, $0xb8;
	[tilespmem:$0xD900] =	vst v63  }
0xc2: {  	v3 =	vld [tilespmem:$0x10];
	_ =	sdelay $0x4  }
0xc3: {  	v23 =	vshll.u32 v3, $0x1  }
0xc4: {  	v3 =	vand.u32 $0x7, v3;
	v4 =	vand.u32 $0xFFFFFFF0, v23  }
0xc5: {  	v3 =	vor.u32 v3, v4  }
0xc6: {  	v4 =	vperm.xlane v3, v0;
	_ =	sdelay $0x1  }
0xc7: {  	v3 =	vperm.xlane v3, v2;
	v4 =	vadd.s32 v1, v4;
	_ =	sdelay $0x1  }
0xc8: {  	v3 =	vadd.s32 v1, v3;
	_ =	sdelay $0x1  }
0xc9: {  	s2 =	simm.s32 $0x1100  }
0xca: {  	[tilespmem:s2], [sflag:$0x1] =	stream.indirect_vreg.gather [hbm4b:s1+s3], $0x80, v4, vm0, $0xb8;
	[tilespmem:$0xD900] =	vst v63  }
0xcb: {  	s6 =	simm.s32 $0x1900  }
0xcc: {  	[tilespmem:s6], [sflag:$0x1] =	stream.indirect_vreg.gather [hbm4b:s1+s3], $0x80, v3, vm0, $0xb8;
	[tilespmem:$0xD900] =	vst v63  }
0xcd: {  	v3 =	vld [tilespmem:$0x20];
	_ =	sdelay $0x4  }
0xce: {  	v24 =	vshll.u32 v3, $0x1  }
0xcf: {  	v3 =	vand.u32 $0x7, v3;
	v4 =	vand.u32 $0xFFFFFFF0, v24  }
0xd0: {  	v3 =	vor.u32 v3, v4  }
0xd1: {  	v4 =	vperm.xlane v3, v0;
	_ =	sdelay $0x1  }
0xd2: {  	v3 =	vperm.xlane v3, v2;
	v4 =	vadd.s32 v1, v4;
	_ =	sdelay $0x1  }
0xd3: {  	v3 =	vadd.s32 v1, v3;
	_ =	sdelay $0x1  }
0xd4: {  	s9 =	simm.s32 $0x2100  }
0xd5: {  	[tilespmem:s9], [sflag:$0x1] =	stream.indirect_vreg.gather [hbm4b:s1+s3], $0x80, v4, vm0, $0xb8;
	[tilespmem:$0xD900] =	vst v63  }
0xd6: {  	s10 =	simm.s32 $0x2900  }
0xd7: {  	[tilespmem:s10], [sflag:$0x1] =	stream.indirect_vreg.gather [hbm4b:s1+s3], $0x80, v3, vm0, $0xb8;
	[tilespmem:$0xD900] =	vst v63  }
0xd8: {  	v3 =	vld [tilespmem:$0x30];
	_ =	sdelay $0x4  }
0xd9: {  	v25 =	vshll.u32 v3, $0x1  }
0xda: {  	v3 =	vand.u32 $0x7, v3;
	v4 =	vand.u32 $0xFFFFFFF0, v25  }
0xdb: {  	v3 =	vor.u32 v3, v4  }
0xdc: {  	v4 =	vperm.xlane v3, v0;
	_ =	sdelay $0x1  }
0xdd: {  	v3 =	vperm.xlane v3, v2;
	v4 =	vadd.s32 v1, v4;
	_ =	sdelay $0x1  }
0xde: {  	v3 =	vadd.s32 v1, v3;
	_ =	sdelay $0x1  }
0xdf: {  	s11 =	simm.s32 $0x3100  }
0xe0: {  	[tilespmem:s11], [sflag:$0x1] =	stream.indirect_vreg.gather [hbm4b:s1+s3], $0x80, v4, vm0, $0xb8;
	[tilespmem:$0xD900] =	vst v63  }
0xe1: {  	s12 =	simm.s32 $0x3900  }
0xe2: {  	[tilespmem:s12], [sflag:$0x1] =	stream.indirect_vreg.gather [hbm4b:s1+s3], $0x80, v3, vm0, $0xb8;
	[tilespmem:$0xD900] =	vst v63  }
0xe3: {  	v3 =	vld [tilespmem:$0x40];
	_ =	sdelay $0x4  }
0xe4: {  	v26 =	vshll.u32 v3, $0x1  }
0xe5: {  	v3 =	vand.u32 $0x7, v3;
	v4 =	vand.u32 $0xFFFFFFF0, v26  }
0xe6: {  	v3 =	vor.u32 v3, v4  }
0xe7: {  	v4 =	vperm.xlane v3, v0;
	_ =	sdelay $0x1  }
0xe8: {  	v3 =	vperm.xlane v3, v2;
	v4 =	vadd.s32 v1, v4;
	_ =	sdelay $0x1  }
0xe9: {  	v3 =	vadd.s32 v1, v3;
	_ =	sdelay $0x1  }
0xea: {  	s13 =	simm.s32 $0x4100  }
0xeb: {  	[tilespmem:s13], [sflag:$0x1] =	stream.indirect_vreg.gather [hbm4b:s1+s3], $0x80, v4, vm0, $0xb8;
	[tilespmem:$0xD900] =	vst v63  }
0xec: {  	s14 =	simm.s32 $0x4900  }
0xed: {  	[tilespmem:s14], [sflag:$0x1] =	stream.indirect_vreg.gather [hbm4b:s1+s3], $0x80, v3, vm0, $0xb8;
	[tilespmem:$0xD900] =	vst v63  }
0xee: {  	v3 =	vld [tilespmem:$0x50];
	_ =	sdelay $0x4  }
0xef: {  	v27 =	vshll.u32 v3, $0x1  }
0xf0: {  	v3 =	vand.u32 $0x7, v3;
	v4 =	vand.u32 $0xFFFFFFF0, v27  }
0xf1: {  	v3 =	vor.u32 v3, v4  }
0xf2: {  	v4 =	vperm.xlane v3, v0;
	_ =	sdelay $0x1  }
0xf3: {  	v3 =	vperm.xlane v3, v2;
	v4 =	vadd.s32 v1, v4;
	_ =	sdelay $0x1  }
0xf4: {  	v3 =	vadd.s32 v1, v3;
	_ =	sdelay $0x1  }
0xf5: {  	s15 =	simm.s32 $0x5100  }
0xf6: {  	[tilespmem:s15], [sflag:$0x1] =	stream.indirect_vreg.gather [hbm4b:s1+s3], $0x80, v4, vm0, $0xb8;
	[tilespmem:$0xD900] =	vst v63  }
0xf7: {  	s16 =	simm.s32 $0x5900  }
0xf8: {  	[tilespmem:s16], [sflag:$0x1] =	stream.indirect_vreg.gather [hbm4b:s1+s3], $0x80, v3, vm0, $0xb8;
	[tilespmem:$0xD900] =	vst v63  }
0xf9: {  	v3 =	vld [tilespmem:$0x60];
	_ =	sdelay $0x4  }
0xfa: {  	v28 =	vshll.u32 v3, $0x1  }
0xfb: {  	v3 =	vand.u32 $0x7, v3;
	v4 =	vand.u32 $0xFFFFFFF0, v28  }
0xfc: {  	v3 =	vor.u32 v3, v4  }
0xfd: {  	v4 =	vperm.xlane v3, v0;
	_ =	sdelay $0x1  }
0xfe: {  	v3 =	vperm.xlane v3, v2;
	v4 =	vadd.s32 v1, v4;
	_ =	sdelay $0x1  }
0xff: {  	v3 =	vadd.s32 v1, v3;
	_ =	sdelay $0x1  }
0x100: {  	s17 =	simm.s32 $0x6100  }
0x101: {  	[tilespmem:s17], [sflag:$0x1] =	stream.indirect_vreg.gather [hbm4b:s1+s3], $0x80, v4, vm0, $0xb8;
	[tilespmem:$0xD900] =	vst v63  }
0x102: {  	s18 =	simm.s32 $0x6900  }
0x103: {  	[tilespmem:s18], [sflag:$0x1] =	stream.indirect_vreg.gather [hbm4b:s1+s3], $0x80, v3, vm0, $0xb8;
	[tilespmem:$0xD900] =	vst v63  }
0x104: {  	v3 =	vld [tilespmem:$0x70];
	_ =	sdelay $0x4  }
0x105: {  	v29 =	vshll.u32 v3, $0x1  }
0x106: {  	v3 =	vand.u32 $0x7, v3;
	v4 =	vand.u32 $0xFFFFFFF0, v29  }
0x107: {  	v3 =	vor.u32 v3, v4  }
0x108: {  	v4 =	vperm.xlane v3, v0;
	_ =	sdelay $0x1  }
0x109: {  	v3 =	vperm.xlane v3, v2;
	v4 =	vadd.s32 v1, v4;
	_ =	sdelay $0x1  }
0x10a: {  	v3 =	vadd.s32 v1, v3;
	_ =	sdelay $0x1  }
0x10b: {  	s19 =	simm.s32 $0x7100  }
0x10c: {  	[tilespmem:s19], [sflag:$0x1] =	stream.indirect_vreg.gather [hbm4b:s1+s3], $0x80, v4, vm0, $0xb8;
	[tilespmem:$0xD900] =	vst v63  }
0x10d: {  	s20 =	simm.s32 $0x7900  }
0x10e: {  	[tilespmem:s20], [sflag:$0x1] =	stream.indirect_vreg.gather [hbm4b:s1+s3], $0x80, v3, vm0, $0xb8;
	[tilespmem:$0xD900] =	vst v63  }
0x10f: {  	v3 =	vld [tilespmem:$0x80];
	_ =	sdelay $0x4  }
0x110: {  	v30 =	vshll.u32 v3, $0x1  }
0x111: {  	v3 =	vand.u32 $0x7, v3;
	v4 =	vand.u32 $0xFFFFFFF0, v30  }
0x112: {  	v3 =	vor.u32 v3, v4  }
0x113: {  	v4 =	vperm.xlane v3, v0;
	_ =	sdelay $0x1  }
0x114: {  	v3 =	vperm.xlane v3, v2;
	v4 =	vadd.s32 v1, v4;
	_ =	sdelay $0x1  }
0x115: {  	v3 =	vadd.s32 v1, v3;
	_ =	sdelay $0x1  }
0x116: {  	s21 =	simm.s32 $0x8100  }
0x117: {  	[tilespmem:s21], [sflag:$0x1] =	stream.indirect_vreg.gather [hbm4b:s1+s3], $0x80, v4, vm0, $0xb8;
	[tilespmem:$0xD900] =	vst v63  }
0x118: {  	s22 =	simm.s32 $0x8900  }
0x119: {  	[tilespmem:s22], [sflag:$0x1] =	stream.indirect_vreg.gather [hbm4b:s1+s3], $0x80, v3, vm0, $0xb8;
	[tilespmem:$0xD900] =	vst v63  }
0x11a: {  	v3 =	vld [tilespmem:$0x90];
	_ =	sdelay $0x4  }
0x11b: {  	v31 =	vshll.u32 v3, $0x1  }
0x11c: {  	v3 =	vand.u32 $0x7, v3;
	v4 =	vand.u32 $0xFFFFFFF0, v31  }
0x11d: {  	v3 =	vor.u32 v3, v4  }
0x11e: {  	v4 =	vperm.xlane v3, v0;
	_ =	sdelay $0x1  }
0x11f: {  	v3 =	vperm.xlane v3, v2;
	v4 =	vadd.s32 v1, v4;
	_ =	sdelay $0x1  }
0x120: {  	v3 =	vadd.s32 v1, v3;
	_ =	sdelay $0x1  }
0x121: {  	s23 =	simm.s32 $0x9100  }
0x122: {  	[tilespmem:s23], [sflag:$0x1] =	stream.indirect_vreg.gather [hbm4b:s1+s3], $0x80, v4, vm0, $0xb8;
	[tilespmem:$0xD900] =	vst v63  }
0x123: {  	s24 =	simm.s32 $0x9900  }
0x124: {  	[tilespmem:s24], [sflag:$0x1] =	stream.indirect_vreg.gather [hbm4b:s1+s3], $0x80, v3, vm0, $0xb8;
	[tilespmem:$0xD900] =	vst v63  }
0x125: {  	v3 =	vld [tilespmem:$0xA0];
	_ =	sdelay $0x4  }
0x126: {  	v32 =	vshll.u32 v3, $0x1  }
0x127: {  	v3 =	vand.u32 $0x7, v3;
	v4 =	vand.u32 $0xFFFFFFF0, v32  }
0x128: {  	v3 =	vor.u32 v3, v4  }
0x129: {  	v4 =	vperm.xlane v3, v0;
	_ =	sdelay $0x1  }
0x12a: {  	v3 =	vperm.xlane v3, v2;
	v4 =	vadd.s32 v1, v4;
	_ =	sdelay $0x1  }
0x12b: {  	v3 =	vadd.s32 v1, v3;
	_ =	sdelay $0x1  }
0x12c: {  	s25 =	simm.s32 $0xA100  }
0x12d: {  	[tilespmem:s25], [sflag:$0x1] =	stream.indirect_vreg.gather [hbm4b:s1+s3], $0x80, v4, vm0, $0xb8;
	[tilespmem:$0xD900] =	vst v63  }
0x12e: {  	s26 =	simm.s32 $0xA900  }
0x12f: {  	[tilespmem:s26], [sflag:$0x1] =	stream.indirect_vreg.gather [hbm4b:s1+s3], $0x80, v3, vm0, $0xb8;
	[tilespmem:$0xD900] =	vst v63  }
0x130: {  	v3 =	vld [tilespmem:$0xB0];
	_ =	sdelay $0x4  }
0x131: {  	v33 =	vshll.u32 v3, $0x1  }
0x132: {  	v3 =	vand.u32 $0x7, v3;
	v4 =	vand.u32 $0xFFFFFFF0, v33  }
0x133: {  	v3 =	vor.u32 v3, v4  }
0x134: {  	v4 =	vperm.xlane v3, v0;
	_ =	sdelay $0x1  }
0x135: {  	v3 =	vperm.xlane v3, v2;
	v4 =	vadd.s32 v1, v4;
	_ =	sdelay $0x1  }
0x136: {  	v3 =	vadd.s32 v1, v3;
	_ =	sdelay $0x1  }
0x137: {  	s28 =	simm.s32 $0xB100  }
0x138: {  	[tilespmem:s28], [sflag:$0x1] =	stream.indirect_vreg.gather [hbm4b:s1+s3], $0x80, v4, vm0, $0xb8;
	[tilespmem:$0xD900] =	vst v63  }
0x139: {  	s0 =	simm.s32 $0xB900  }
0x13a: {  	[tilespmem:s0], [sflag:$0x1] =	stream.indirect_vreg.gather [hbm4b:s1+s3], $0x80, v3, vm0, $0xb8;
	[tilespmem:$0xD900] =	vst v63  }
0x13b: {  	v3 =	vld [tilespmem:$0xC0];
	_ =	sdelay $0x4  }
0x13c: {  	v34 =	vshll.u32 v3, $0x1  }
0x13d: {  	v3 =	vand.u32 $0x7, v3;
	v4 =	vand.u32 $0xFFFFFFF0, v34  }
0x13e: {  	v3 =	vor.u32 v3, v4  }
0x13f: {  	v4 =	vperm.xlane v3, v0;
	_ =	sdelay $0x1  }
0x140: {  	v3 =	vperm.xlane v3, v2;
	v4 =	vadd.s32 v1, v4;
	_ =	sdelay $0x1  }
0x141: {  	v3 =	vadd.s32 v1, v3;
	_ =	sdelay $0x1  }
0x142: {  	s8 =	simm.s32 $0xC100  }
0x143: {  	[tilespmem:s8], [sflag:$0x1] =	stream.indirect_vreg.gather [hbm4b:s1+s3], $0x80, v4, vm0, $0xb8;
	[tilespmem:$0xD900] =	vst v63  }
0x144: {  	s31 =	simm.s32 $0xC900  }
0x145: {  	[tilespmem:s31], [sflag:$0x1] =	stream.indirect_vreg.gather [hbm4b:s1+s3], $0x80, v3, vm0, $0xb8;
	[tilespmem:$0xD900] =	vst v63  }
0x146: {  	v3 =	vld.msk [tilespmem:$0xD0], $0xff;
	_ =	sdelay $0x4  }
0x147: {  	v35 =	vshll.u32 v3, $0x1  }
0x148: {  	v3 =	vand.u32 $0x7, v3;
	v4 =	vand.u32 $0xFFFFFFF0, v35  }
0x149: {  	v3 =	vor.u32 v3, v4  }
0x14a: {  	v3 =	vperm.xlane v3, v0;
	_ =	sdelay $0x1  }
0x14b: {  	v3 =	vadd.s32 v1, v3;
	_ =	sdelay $0x3  }
0x14c: {  	s30 =	simm.s32 $0xD100  }
0x14d: {  	[tilespmem:s30], [sflag:$0x1] =	stream.indirect_vreg.gather [hbm4b:s1+s3], $0x80, v3, vm0, $0xb8;
	[tilespmem:$0xD900] =	vst v63  }
0x14e: {  	_ =	swait.ge [sflag:s7], $0xD800  }
0x14f: {  	[sflag:s7] =	ssyncset.done $0x0  }
0x150: {  	s30 =	rddreg [dreg:$0x7];
	[sflag:s7] =	ssyncadd.s32 $0xFFFF2800  }
0x151: {  	[hbm4b:s30+s3] =	stream.linear.scatter [tilespmem:s29], [sflag:$0x2], $0xD800, $0x38;
	[tilespmem:$0xD900] =	vst v63  }
0x152: {  	_ =	swait.ge [sflag:s5], $0xD800  }
0x153: {  	[sflag:s5] =	ssyncset.done $0x0  }
0x154: {  	s30 =	rddreg [dreg:$0x8];
	[sflag:s5] =	ssyncadd.s32 $0xFFFF2800  }
0x155: {  	[tilespmem:s3], [sflag:$0x2] =	stream.linear.gather [hbm4b:s30+s3], $0xD8, $0x38;
	[tilespmem:$0xD900] =	vst v63  }
0x156: {  	_ =	swait.ge [sflag:s5], $0xD8  }
0x157: {  	[sflag:s5] =	ssyncset.done $0x0  }
0x158: {  	[sflag:s5] =	ssyncadd.s32 $0xFFFFFF28  }
0x159: {  	v3 =	vld [tilespmem:$0x0];
	_ =	sdelay $0x4  }
0x15a: {  	v36 =	vshll.u32 v3, $0x1  }
0x15b: {  	v3 =	vand.u32 $0x7, v3;
	v4 =	vand.u32 $0xFFFFFFF0, v36  }
0x15c: {  	v3 =	vor.u32 v3, v4  }
0x15d: {  	v4 =	vperm.xlane v3, v0;
	_ =	sdelay $0x1  }
0x15e: {  	v3 =	vperm.xlane v3, v2;
	v4 =	vadd.s32 v1, v4;
	_ =	sdelay $0x1  }
0x15f: {  	v3 =	vadd.s32 v1, v3;
	_ =	sdelay $0x2  }
0x160: {  	[tilespmem:s29], [sflag:$0x1] =	stream.indirect_vreg.gather [hbm4b:s1+s3], $0x80, v4, vm0, $0xb8;
	[tilespmem:$0xD900] =	vst v63  }
0x161: {  	s30 =	simm.s32 $0x900  }
0x162: {  	[tilespmem:s30], [sflag:$0x1] =	stream.indirect_vreg.gather [hbm4b:s1+s3], $0x80, v3, vm0, $0xb8;
	[tilespmem:$0xD900] =	vst v63  }
0x163: {  	v3 =	vld [tilespmem:$0x10];
	_ =	sdelay $0x4  }
0x164: {  	v37 =	vshll.u32 v3, $0x1  }
0x165: {  	v3 =	vand.u32 $0x7, v3;
	v4 =	vand.u32 $0xFFFFFFF0, v37  }
0x166: {  	v3 =	vor.u32 v3, v4  }
0x167: {  	v4 =	vperm.xlane v3, v0;
	_ =	sdelay $0x1  }
0x168: {  	v3 =	vperm.xlane v3, v2;
	v4 =	vadd.s32 v1, v4;
	_ =	sdelay $0x1  }
0x169: {  	v3 =	vadd.s32 v1, v3;
	_ =	sdelay $0x2  }
0x16a: {  	[tilespmem:s2], [sflag:$0x1] =	stream.indirect_vreg.gather [hbm4b:s1+s3], $0x80, v4, vm0, $0xb8;
	[tilespmem:$0xD900] =	vst v63  }
0x16b: {  	_ = 	snop  }
0x16c: {  	[tilespmem:s6], [sflag:$0x1] =	stream.indirect_vreg.gather [hbm4b:s1+s3], $0x80, v3, vm0, $0xb8;
	[tilespmem:$0xD900] =	vst v63  }
0x16d: {  	v3 =	vld [tilespmem:$0x20];
	_ =	sdelay $0x4  }
0x16e: {  	v38 =	vshll.u32 v3, $0x1  }
0x16f: {  	v3 =	vand.u32 $0x7, v3;
	v4 =	vand.u32 $0xFFFFFFF0, v38  }
0x170: {  	v3 =	vor.u32 v3, v4  }
0x171: {  	v4 =	vperm.xlane v3, v0;
	_ =	sdelay $0x1  }
0x172: {  	v3 =	vperm.xlane v3, v2;
	v4 =	vadd.s32 v1, v4;
	_ =	sdelay $0x1  }
0x173: {  	v3 =	vadd.s32 v1, v3;
	_ =	sdelay $0x2  }
0x174: {  	[tilespmem:s9], [sflag:$0x1] =	stream.indirect_vreg.gather [hbm4b:s1+s3], $0x80, v4, vm0, $0xb8;
	[tilespmem:$0xD900] =	vst v63  }
0x175: {  	_ = 	snop  }
0x176: {  	[tilespmem:s10], [sflag:$0x1] =	stream.indirect_vreg.gather [hbm4b:s1+s3], $0x80, v3, vm0, $0xb8;
	[tilespmem:$0xD900] =	vst v63  }
0x177: {  	v3 =	vld [tilespmem:$0x30];
	_ =	sdelay $0x4  }
0x178: {  	v39 =	vshll.u32 v3, $0x1  }
0x179: {  	v3 =	vand.u32 $0x7, v3;
	v4 =	vand.u32 $0xFFFFFFF0, v39  }
0x17a: {  	v3 =	vor.u32 v3, v4  }
0x17b: {  	v4 =	vperm.xlane v3, v0;
	_ =	sdelay $0x1  }
0x17c: {  	v3 =	vperm.xlane v3, v2;
	v4 =	vadd.s32 v1, v4;
	_ =	sdelay $0x1  }
0x17d: {  	v3 =	vadd.s32 v1, v3;
	_ =	sdelay $0x2  }
0x17e: {  	[tilespmem:s11], [sflag:$0x1] =	stream.indirect_vreg.gather [hbm4b:s1+s3], $0x80, v4, vm0, $0xb8;
	[tilespmem:$0xD900] =	vst v63  }
0x17f: {  	_ = 	snop  }
0x180: {  	[tilespmem:s12], [sflag:$0x1] =	stream.indirect_vreg.gather [hbm4b:s1+s3], $0x80, v3, vm0, $0xb8;
	[tilespmem:$0xD900] =	vst v63  }
0x181: {  	v3 =	vld [tilespmem:$0x40];
	_ =	sdelay $0x4  }
0x182: {  	v40 =	vshll.u32 v3, $0x1  }
0x183: {  	v3 =	vand.u32 $0x7, v3;
	v4 =	vand.u32 $0xFFFFFFF0, v40  }
0x184: {  	v3 =	vor.u32 v3, v4  }
0x185: {  	v4 =	vperm.xlane v3, v0;
	_ =	sdelay $0x1  }
0x186: {  	v3 =	vperm.xlane v3, v2;
	v4 =	vadd.s32 v1, v4;
	_ =	sdelay $0x1  }
0x187: {  	v3 =	vadd.s32 v1, v3;
	_ =	sdelay $0x2  }
0x188: {  	[tilespmem:s13], [sflag:$0x1] =	stream.indirect_vreg.gather [hbm4b:s1+s3], $0x80, v4, vm0, $0xb8;
	[tilespmem:$0xD900] =	vst v63  }
0x189: {  	_ = 	snop  }
0x18a: {  	[tilespmem:s14], [sflag:$0x1] =	stream.indirect_vreg.gather [hbm4b:s1+s3], $0x80, v3, vm0, $0xb8;
	[tilespmem:$0xD900] =	vst v63  }
0x18b: {  	v3 =	vld [tilespmem:$0x50];
	_ =	sdelay $0x4  }
0x18c: {  	v41 =	vshll.u32 v3, $0x1  }
0x18d: {  	v3 =	vand.u32 $0x7, v3;
	v4 =	vand.u32 $0xFFFFFFF0, v41  }
0x18e: {  	v3 =	vor.u32 v3, v4  }
0x18f: {  	v4 =	vperm.xlane v3, v0;
	_ =	sdelay $0x1  }
0x190: {  	v3 =	vperm.xlane v3, v2;
	v4 =	vadd.s32 v1, v4;
	_ =	sdelay $0x1  }
0x191: {  	v3 =	vadd.s32 v1, v3;
	_ =	sdelay $0x2  }
0x192: {  	[tilespmem:s15], [sflag:$0x1] =	stream.indirect_vreg.gather [hbm4b:s1+s3], $0x80, v4, vm0, $0xb8;
	[tilespmem:$0xD900] =	vst v63  }
0x193: {  	_ = 	snop  }
0x194: {  	[tilespmem:s16], [sflag:$0x1] =	stream.indirect_vreg.gather [hbm4b:s1+s3], $0x80, v3, vm0, $0xb8;
	[tilespmem:$0xD900] =	vst v63  }
0x195: {  	v3 =	vld [tilespmem:$0x60];
	_ =	sdelay $0x4  }
0x196: {  	v42 =	vshll.u32 v3, $0x1  }
0x197: {  	v3 =	vand.u32 $0x7, v3;
	v4 =	vand.u32 $0xFFFFFFF0, v42  }
0x198: {  	v3 =	vor.u32 v3, v4  }
0x199: {  	v4 =	vperm.xlane v3, v0;
	_ =	sdelay $0x1  }
0x19a: {  	v3 =	vperm.xlane v3, v2;
	v4 =	vadd.s32 v1, v4;
	_ =	sdelay $0x1  }
0x19b: {  	v3 =	vadd.s32 v1, v3;
	_ =	sdelay $0x2  }
0x19c: {  	[tilespmem:s17], [sflag:$0x1] =	stream.indirect_vreg.gather [hbm4b:s1+s3], $0x80, v4, vm0, $0xb8;
	[tilespmem:$0xD900] =	vst v63  }
0x19d: {  	_ = 	snop  }
0x19e: {  	[tilespmem:s18], [sflag:$0x1] =	stream.indirect_vreg.gather [hbm4b:s1+s3], $0x80, v3, vm0, $0xb8;
	[tilespmem:$0xD900] =	vst v63  }
0x19f: {  	v3 =	vld [tilespmem:$0x70];
	_ =	sdelay $0x4  }
0x1a0: {  	v43 =	vshll.u32 v3, $0x1  }
0x1a1: {  	v3 =	vand.u32 $0x7, v3;
	v4 =	vand.u32 $0xFFFFFFF0, v43  }
0x1a2: {  	v3 =	vor.u32 v3, v4  }
0x1a3: {  	v4 =	vperm.xlane v3, v0;
	_ =	sdelay $0x1  }
0x1a4: {  	v3 =	vperm.xlane v3, v2;
	v4 =	vadd.s32 v1, v4;
	_ =	sdelay $0x1  }
0x1a5: {  	v3 =	vadd.s32 v1, v3;
	_ =	sdelay $0x2  }
0x1a6: {  	[tilespmem:s19], [sflag:$0x1] =	stream.indirect_vreg.gather [hbm4b:s1+s3], $0x80, v4, vm0, $0xb8;
	[tilespmem:$0xD900] =	vst v63  }
0x1a7: {  	_ = 	snop  }
0x1a8: {  	[tilespmem:s20], [sflag:$0x1] =	stream.indirect_vreg.gather [hbm4b:s1+s3], $0x80, v3, vm0, $0xb8;
	[tilespmem:$0xD900] =	vst v63  }
0x1a9: {  	v3 =	vld [tilespmem:$0x80];
	_ =	sdelay $0x4  }
0x1aa: {  	v44 =	vshll.u32 v3, $0x1  }
0x1ab: {  	v3 =	vand.u32 $0x7, v3;
	v4 =	vand.u32 $0xFFFFFFF0, v44  }
0x1ac: {  	v3 =	vor.u32 v3, v4  }
0x1ad: {  	v4 =	vperm.xlane v3, v0;
	_ =	sdelay $0x1  }
0x1ae: {  	v3 =	vperm.xlane v3, v2;
	v4 =	vadd.s32 v1, v4;
	_ =	sdelay $0x1  }
0x1af: {  	v3 =	vadd.s32 v1, v3;
	_ =	sdelay $0x2  }
0x1b0: {  	[tilespmem:s21], [sflag:$0x1] =	stream.indirect_vreg.gather [hbm4b:s1+s3], $0x80, v4, vm0, $0xb8;
	[tilespmem:$0xD900] =	vst v63  }
0x1b1: {  	_ = 	snop  }
0x1b2: {  	[tilespmem:s22], [sflag:$0x1] =	stream.indirect_vreg.gather [hbm4b:s1+s3], $0x80, v3, vm0, $0xb8;
	[tilespmem:$0xD900] =	vst v63  }
0x1b3: {  	v3 =	vld [tilespmem:$0x90];
	_ =	sdelay $0x4  }
0x1b4: {  	v45 =	vshll.u32 v3, $0x1  }
0x1b5: {  	v3 =	vand.u32 $0x7, v3;
	v4 =	vand.u32 $0xFFFFFFF0, v45  }
0x1b6: {  	v3 =	vor.u32 v3, v4  }
0x1b7: {  	v4 =	vperm.xlane v3, v0;
	_ =	sdelay $0x1  }
0x1b8: {  	v3 =	vperm.xlane v3, v2;
	v4 =	vadd.s32 v1, v4;
	_ =	sdelay $0x1  }
0x1b9: {  	v3 =	vadd.s32 v1, v3;
	_ =	sdelay $0x2  }
0x1ba: {  	[tilespmem:s23], [sflag:$0x1] =	stream.indirect_vreg.gather [hbm4b:s1+s3], $0x80, v4, vm0, $0xb8;
	[tilespmem:$0xD900] =	vst v63  }
0x1bb: {  	_ = 	snop  }
0x1bc: {  	[tilespmem:s24], [sflag:$0x1] =	stream.indirect_vreg.gather [hbm4b:s1+s3], $0x80, v3, vm0, $0xb8;
	[tilespmem:$0xD900] =	vst v63  }
0x1bd: {  	v3 =	vld [tilespmem:$0xA0];
	_ =	sdelay $0x4  }
0x1be: {  	v46 =	vshll.u32 v3, $0x1  }
0x1bf: {  	v3 =	vand.u32 $0x7, v3;
	v4 =	vand.u32 $0xFFFFFFF0, v46  }
0x1c0: {  	v3 =	vor.u32 v3, v4  }
0x1c1: {  	v4 =	vperm.xlane v3, v0;
	_ =	sdelay $0x1  }
0x1c2: {  	v3 =	vperm.xlane v3, v2;
	v4 =	vadd.s32 v1, v4;
	_ =	sdelay $0x1  }
0x1c3: {  	v3 =	vadd.s32 v1, v3;
	_ =	sdelay $0x2  }
0x1c4: {  	[tilespmem:s25], [sflag:$0x1] =	stream.indirect_vreg.gather [hbm4b:s1+s3], $0x80, v4, vm0, $0xb8;
	[tilespmem:$0xD900] =	vst v63  }
0x1c5: {  	_ = 	snop  }
0x1c6: {  	[tilespmem:s26], [sflag:$0x1] =	stream.indirect_vreg.gather [hbm4b:s1+s3], $0x80, v3, vm0, $0xb8;
	[tilespmem:$0xD900] =	vst v63  }
0x1c7: {  	v3 =	vld [tilespmem:$0xB0];
	_ =	sdelay $0x4  }
0x1c8: {  	v47 =	vshll.u32 v3, $0x1  }
0x1c9: {  	v3 =	vand.u32 $0x7, v3;
	v4 =	vand.u32 $0xFFFFFFF0, v47  }
0x1ca: {  	v3 =	vor.u32 v3, v4  }
0x1cb: {  	v4 =	vperm.xlane v3, v0;
	_ =	sdelay $0x1  }
0x1cc: {  	v3 =	vperm.xlane v3, v2;
	v4 =	vadd.s32 v1, v4;
	_ =	sdelay $0x1  }
0x1cd: {  	v3 =	vadd.s32 v1, v3;
	_ =	sdelay $0x2  }
0x1ce: {  	[tilespmem:s28], [sflag:$0x1] =	stream.indirect_vreg.gather [hbm4b:s1+s3], $0x80, v4, vm0, $0xb8;
	[tilespmem:$0xD900] =	vst v63  }
0x1cf: {  	_ = 	snop  }
0x1d0: {  	[tilespmem:s0], [sflag:$0x1] =	stream.indirect_vreg.gather [hbm4b:s1+s3], $0x80, v3, vm0, $0xb8;
	[tilespmem:$0xD900] =	vst v63  }
0x1d1: {  	v3 =	vld [tilespmem:$0xC0];
	_ =	sdelay $0x4  }
0x1d2: {  	v48 =	vshll.u32 v3, $0x1  }
0x1d3: {  	v3 =	vand.u32 $0x7, v3;
	v4 =	vand.u32 $0xFFFFFFF0, v48  }
0x1d4: {  	v3 =	vor.u32 v3, v4  }
0x1d5: {  	v4 =	vperm.xlane v3, v0;
	_ =	sdelay $0x1  }
0x1d6: {  	v3 =	vperm.xlane v3, v2;
	v4 =	vadd.s32 v1, v4;
	_ =	sdelay $0x1  }
0x1d7: {  	v3 =	vadd.s32 v1, v3;
	_ =	sdelay $0x1  }
0x1d8: {  	s30 =	simm.s32 $0xC100  }
0x1d9: {  	[tilespmem:s30], [sflag:$0x1] =	stream.indirect_vreg.gather [hbm4b:s1+s3], $0x80, v4, vm0, $0xb8;
	[tilespmem:$0xD900] =	vst v63  }
0x1da: {  	s8 =	simm.s32 $0xC900  }
0x1db: {  	[tilespmem:s8], [sflag:$0x1] =	stream.indirect_vreg.gather [hbm4b:s1+s3], $0x80, v3, vm0, $0xb8;
	[tilespmem:$0xD900] =	vst v63  }
0x1dc: {  	v3 =	vld.msk [tilespmem:$0xD0], $0xff;
	_ =	sdelay $0x4  }
0x1dd: {  	v49 =	vshll.u32 v3, $0x1  }
0x1de: {  	v3 =	vand.u32 $0x7, v3;
	v4 =	vand.u32 $0xFFFFFFF0, v49  }
0x1df: {  	v3 =	vor.u32 v3, v4  }
0x1e0: {  	v3 =	vperm.xlane v3, v0;
	_ =	sdelay $0x1  }
0x1e1: {  	v3 =	vadd.s32 v1, v3;
	_ =	sdelay $0x3  }
0x1e2: {  	s31 =	simm.s32 $0xD100  }
0x1e3: {  	[tilespmem:s31], [sflag:$0x1] =	stream.indirect_vreg.gather [hbm4b:s1+s3], $0x80, v3, vm0, $0xb8;
	[tilespmem:$0xD900] =	vst v63  }
0x1e4: {  	_ =	swait.ge [sflag:s7], $0xD800  }
0x1e5: {  	[sflag:s7] =	ssyncset.done $0x0  }
0x1e6: {  	s8 =	rddreg [dreg:$0x9];
	[sflag:s7] =	ssyncadd.s32 $0xFFFF2800  }
0x1e7: {  	[hbm4b:s8+s3] =	stream.linear.scatter [tilespmem:s29], [sflag:$0x2], $0xD800, $0x38;
	[tilespmem:$0xD900] =	vst v63  }
0x1e8: {  	_ =	swait.ge [sflag:s5], $0xD800  }
0x1e9: {  	[sflag:s5] =	ssyncset.done $0x0  }
0x1ea: {  	s8 =	rddreg [dreg:$0xa];
	[sflag:s5] =	ssyncadd.s32 $0xFFFF2800  }
0x1eb: {  	[tilespmem:s3], [sflag:$0x2] =	stream.linear.gather [hbm4b:s8+s3], $0xD8, $0x38;
	[tilespmem:$0xD900] =	vst v63  }
0x1ec: {  	_ =	swait.ge [sflag:s5], $0xD8  }
0x1ed: {  	[sflag:s5] =	ssyncset.done $0x0  }
0x1ee: {  	[sflag:s5] =	ssyncadd.s32 $0xFFFFFF28  }
0x1ef: {  	v3 =	vld [tilespmem:$0x0];
	_ =	sdelay $0x4  }
0x1f0: {  	v50 =	vshll.u32 v3, $0x1  }
0x1f1: {  	v3 =	vand.u32 $0x7, v3;
	v4 =	vand.u32 $0xFFFFFFF0, v50  }
0x1f2: {  	v3 =	vor.u32 v3, v4  }
0x1f3: {  	v4 =	vperm.xlane v3, v0;
	_ =	sdelay $0x1  }
0x1f4: {  	v3 =	vperm.xlane v3, v2;
	v4 =	vadd.s32 v1, v4;
	_ =	sdelay $0x1  }
0x1f5: {  	v3 =	vadd.s32 v1, v3;
	_ =	sdelay $0x2  }
0x1f6: {  	[tilespmem:s29], [sflag:$0x1] =	stream.indirect_vreg.gather [hbm4b:s1+s3], $0x80, v4, vm0, $0xb8;
	[tilespmem:$0xD900] =	vst v63  }
0x1f7: {  	s8 =	simm.s32 $0x900  }
0x1f8: {  	[tilespmem:s8], [sflag:$0x1] =	stream.indirect_vreg.gather [hbm4b:s1+s3], $0x80, v3, vm0, $0xb8;
	[tilespmem:$0xD900] =	vst v63  }
0x1f9: {  	v3 =	vld [tilespmem:$0x10];
	_ =	sdelay $0x4  }
0x1fa: {  	v51 =	vshll.u32 v3, $0x1  }
0x1fb: {  	v3 =	vand.u32 $0x7, v3;
	v4 =	vand.u32 $0xFFFFFFF0, v51  }
0x1fc: {  	v3 =	vor.u32 v3, v4  }
0x1fd: {  	v4 =	vperm.xlane v3, v0;
	_ =	sdelay $0x1  }
0x1fe: {  	v3 =	vperm.xlane v3, v2;
	v4 =	vadd.s32 v1, v4;
	_ =	sdelay $0x1  }
0x1ff: {  	v3 =	vadd.s32 v1, v3;
	_ =	sdelay $0x1  }
0x200: {  	s2 =	simm.s32 $0x1100  }
0x201: {  	[tilespmem:s2], [sflag:$0x1] =	stream.indirect_vreg.gather [hbm4b:s1+s3], $0x80, v4, vm0, $0xb8;
	[tilespmem:$0xD900] =	vst v63  }
0x202: {  	s6 =	simm.s32 $0x1900  }
0x203: {  	[tilespmem:s6], [sflag:$0x1] =	stream.indirect_vreg.gather [hbm4b:s1+s3], $0x80, v3, vm0, $0xb8;
	[tilespmem:$0xD900] =	vst v63  }
0x204: {  	v3 =	vld [tilespmem:$0x20];
	_ =	sdelay $0x4  }
0x205: {  	v52 =	vshll.u32 v3, $0x1  }
0x206: {  	v3 =	vand.u32 $0x7, v3;
	v4 =	vand.u32 $0xFFFFFFF0, v52  }
0x207: {  	v3 =	vor.u32 v3, v4  }
0x208: {  	v4 =	vperm.xlane v3, v0;
	_ =	sdelay $0x1  }
0x209: {  	v3 =	vperm.xlane v3, v2;
	v4 =	vadd.s32 v1, v4;
	_ =	sdelay $0x1  }
0x20a: {  	v3 =	vadd.s32 v1, v3;
	_ =	sdelay $0x1  }
0x20b: {  	s9 =	simm.s32 $0x2100  }
0x20c: {  	[tilespmem:s9], [sflag:$0x1] =	stream.indirect_vreg.gather [hbm4b:s1+s3], $0x80, v4, vm0, $0xb8;
	[tilespmem:$0xD900] =	vst v63  }
0x20d: {  	s10 =	simm.s32 $0x2900  }
0x20e: {  	[tilespmem:s10], [sflag:$0x1] =	stream.indirect_vreg.gather [hbm4b:s1+s3], $0x80, v3, vm0, $0xb8;
	[tilespmem:$0xD900] =	vst v63  }
0x20f: {  	v3 =	vld [tilespmem:$0x30];
	_ =	sdelay $0x4  }
0x210: {  	v53 =	vshll.u32 v3, $0x1  }
0x211: {  	v3 =	vand.u32 $0x7, v3;
	v4 =	vand.u32 $0xFFFFFFF0, v53  }
0x212: {  	v3 =	vor.u32 v3, v4  }
0x213: {  	v4 =	vperm.xlane v3, v0;
	_ =	sdelay $0x1  }
0x214: {  	v3 =	vperm.xlane v3, v2;
	v4 =	vadd.s32 v1, v4;
	_ =	sdelay $0x1  }
0x215: {  	v3 =	vadd.s32 v1, v3;
	_ =	sdelay $0x1  }
0x216: {  	s11 =	simm.s32 $0x3100  }
0x217: {  	[tilespmem:s11], [sflag:$0x1] =	stream.indirect_vreg.gather [hbm4b:s1+s3], $0x80, v4, vm0, $0xb8;
	[tilespmem:$0xD900] =	vst v63  }
0x218: {  	s12 =	simm.s32 $0x3900  }
0x219: {  	[tilespmem:s12], [sflag:$0x1] =	stream.indirect_vreg.gather [hbm4b:s1+s3], $0x80, v3, vm0, $0xb8;
	[tilespmem:$0xD900] =	vst v63  }
0x21a: {  	v3 =	vld [tilespmem:$0x40];
	_ =	sdelay $0x4  }
0x21b: {  	v54 =	vshll.u32 v3, $0x1  }
0x21c: {  	v3 =	vand.u32 $0x7, v3;
	v4 =	vand.u32 $0xFFFFFFF0, v54  }
0x21d: {  	v3 =	vor.u32 v3, v4  }
0x21e: {  	v4 =	vperm.xlane v3, v0;
	_ =	sdelay $0x1  }
0x21f: {  	v3 =	vperm.xlane v3, v2;
	v4 =	vadd.s32 v1, v4;
	_ =	sdelay $0x1  }
0x220: {  	v3 =	vadd.s32 v1, v3;
	_ =	sdelay $0x1  }
0x221: {  	s13 =	simm.s32 $0x4100  }
0x222: {  	[tilespmem:s13], [sflag:$0x1] =	stream.indirect_vreg.gather [hbm4b:s1+s3], $0x80, v4, vm0, $0xb8;
	[tilespmem:$0xD900] =	vst v63  }
0x223: {  	s14 =	simm.s32 $0x4900  }
0x224: {  	[tilespmem:s14], [sflag:$0x1] =	stream.indirect_vreg.gather [hbm4b:s1+s3], $0x80, v3, vm0, $0xb8;
	[tilespmem:$0xD900] =	vst v63  }
0x225: {  	v3 =	vld [tilespmem:$0x50];
	_ =	sdelay $0x4  }
0x226: {  	v55 =	vshll.u32 v3, $0x1  }
0x227: {  	v3 =	vand.u32 $0x7, v3;
	v4 =	vand.u32 $0xFFFFFFF0, v55  }
0x228: {  	v3 =	vor.u32 v3, v4  }
0x229: {  	v4 =	vperm.xlane v3, v0;
	_ =	sdelay $0x1  }
0x22a: {  	v3 =	vperm.xlane v3, v2;
	v4 =	vadd.s32 v1, v4;
	_ =	sdelay $0x1  }
0x22b: {  	v3 =	vadd.s32 v1, v3;
	_ =	sdelay $0x1  }
0x22c: {  	s15 =	simm.s32 $0x5100  }
0x22d: {  	[tilespmem:s15], [sflag:$0x1] =	stream.indirect_vreg.gather [hbm4b:s1+s3], $0x80, v4, vm0, $0xb8;
	[tilespmem:$0xD900] =	vst v63  }
0x22e: {  	s16 =	simm.s32 $0x5900  }
0x22f: {  	[tilespmem:s16], [sflag:$0x1] =	stream.indirect_vreg.gather [hbm4b:s1+s3], $0x80, v3, vm0, $0xb8;
	[tilespmem:$0xD900] =	vst v63  }
0x230: {  	v3 =	vld [tilespmem:$0x60];
	_ =	sdelay $0x4  }
0x231: {  	v56 =	vshll.u32 v3, $0x1  }
0x232: {  	v3 =	vand.u32 $0x7, v3;
	v4 =	vand.u32 $0xFFFFFFF0, v56  }
0x233: {  	v3 =	vor.u32 v3, v4  }
0x234: {  	v4 =	vperm.xlane v3, v0;
	_ =	sdelay $0x1  }
0x235: {  	v3 =	vperm.xlane v3, v2;
	v4 =	vadd.s32 v1, v4;
	_ =	sdelay $0x1  }
0x236: {  	v3 =	vadd.s32 v1, v3;
	_ =	sdelay $0x1  }
0x237: {  	s17 =	simm.s32 $0x6100  }
0x238: {  	[tilespmem:s17], [sflag:$0x1] =	stream.indirect_vreg.gather [hbm4b:s1+s3], $0x80, v4, vm0, $0xb8;
	[tilespmem:$0xD900] =	vst v63  }
0x239: {  	s18 =	simm.s32 $0x6900  }
0x23a: {  	[tilespmem:s18], [sflag:$0x1] =	stream.indirect_vreg.gather [hbm4b:s1+s3], $0x80, v3, vm0, $0xb8;
	[tilespmem:$0xD900] =	vst v63  }
0x23b: {  	v3 =	vld [tilespmem:$0x70];
	_ =	sdelay $0x4  }
0x23c: {  	v57 =	vshll.u32 v3, $0x1  }
0x23d: {  	v3 =	vand.u32 $0x7, v3;
	v4 =	vand.u32 $0xFFFFFFF0, v57  }
0x23e: {  	v3 =	vor.u32 v3, v4  }
0x23f: {  	v4 =	vperm.xlane v3, v0;
	_ =	sdelay $0x1  }
0x240: {  	v3 =	vperm.xlane v3, v2;
	v4 =	vadd.s32 v1, v4;
	_ =	sdelay $0x1  }
0x241: {  	v3 =	vadd.s32 v1, v3;
	_ =	sdelay $0x1  }
0x242: {  	s19 =	simm.s32 $0x7100  }
0x243: {  	[tilespmem:s19], [sflag:$0x1] =	stream.indirect_vreg.gather [hbm4b:s1+s3], $0x80, v4, vm0, $0xb8;
	[tilespmem:$0xD900] =	vst v63  }
0x244: {  	s20 =	simm.s32 $0x7900  }
0x245: {  	[tilespmem:s20], [sflag:$0x1] =	stream.indirect_vreg.gather [hbm4b:s1+s3], $0x80, v3, vm0, $0xb8;
	[tilespmem:$0xD900] =	vst v63  }
0x246: {  	v3 =	vld [tilespmem:$0x80];
	_ =	sdelay $0x4  }
0x247: {  	v58 =	vshll.u32 v3, $0x1  }
0x248: {  	v3 =	vand.u32 $0x7, v3;
	v4 =	vand.u32 $0xFFFFFFF0, v58  }
0x249: {  	v3 =	vor.u32 v3, v4  }
0x24a: {  	v4 =	vperm.xlane v3, v0;
	_ =	sdelay $0x1  }
0x24b: {  	v3 =	vperm.xlane v3, v2;
	v4 =	vadd.s32 v1, v4;
	_ =	sdelay $0x1  }
0x24c: {  	v3 =	vadd.s32 v1, v3;
	_ =	sdelay $0x1  }
0x24d: {  	s21 =	simm.s32 $0x8100  }
0x24e: {  	[tilespmem:s21], [sflag:$0x1] =	stream.indirect_vreg.gather [hbm4b:s1+s3], $0x80, v4, vm0, $0xb8;
	[tilespmem:$0xD900] =	vst v63  }
0x24f: {  	s22 =	simm.s32 $0x8900  }
0x250: {  	[tilespmem:s22], [sflag:$0x1] =	stream.indirect_vreg.gather [hbm4b:s1+s3], $0x80, v3, vm0, $0xb8;
	[tilespmem:$0xD900] =	vst v63  }
0x251: {  	v3 =	vld [tilespmem:$0x90];
	_ =	sdelay $0x4  }
0x252: {  	v59 =	vshll.u32 v3, $0x1  }
0x253: {  	v3 =	vand.u32 $0x7, v3;
	v4 =	vand.u32 $0xFFFFFFF0, v59  }
0x254: {  	v3 =	vor.u32 v3, v4  }
0x255: {  	v4 =	vperm.xlane v3, v0;
	_ =	sdelay $0x1  }
0x256: {  	v3 =	vperm.xlane v3, v2;
	v4 =	vadd.s32 v1, v4;
	_ =	sdelay $0x1  }
0x257: {  	v3 =	vadd.s32 v1, v3;
	_ =	sdelay $0x1  }
0x258: {  	s23 =	simm.s32 $0x9100  }
0x259: {  	[tilespmem:s23], [sflag:$0x1] =	stream.indirect_vreg.gather [hbm4b:s1+s3], $0x80, v4, vm0, $0xb8;
	[tilespmem:$0xD900] =	vst v63  }
0x25a: {  	s24 =	simm.s32 $0x9900  }
0x25b: {  	[tilespmem:s24], [sflag:$0x1] =	stream.indirect_vreg.gather [hbm4b:s1+s3], $0x80, v3, vm0, $0xb8;
	[tilespmem:$0xD900] =	vst v63  }
0x25c: {  	v3 =	vld [tilespmem:$0xA0];
	_ =	sdelay $0x4  }
0x25d: {  	v60 =	vshll.u32 v3, $0x1  }
0x25e: {  	v3 =	vand.u32 $0x7, v3;
	v4 =	vand.u32 $0xFFFFFFF0, v60  }
0x25f: {  	v3 =	vor.u32 v3, v4  }
0x260: {  	v4 =	vperm.xlane v3, v0;
	_ =	sdelay $0x1  }
0x261: {  	v3 =	vperm.xlane v3, v2;
	v4 =	vadd.s32 v1, v4;
	_ =	sdelay $0x1  }
0x262: {  	v3 =	vadd.s32 v1, v3;
	_ =	sdelay $0x1  }
0x263: {  	s25 =	simm.s32 $0xA100  }
0x264: {  	[tilespmem:s25], [sflag:$0x1] =	stream.indirect_vreg.gather [hbm4b:s1+s3], $0x80, v4, vm0, $0xb8;
	[tilespmem:$0xD900] =	vst v63  }
0x265: {  	s26 =	simm.s32 $0xA900  }
0x266: {  	[tilespmem:s26], [sflag:$0x1] =	stream.indirect_vreg.gather [hbm4b:s1+s3], $0x80, v3, vm0, $0xb8;
	[tilespmem:$0xD900] =	vst v63  }
0x267: {  	v3 =	vld [tilespmem:$0xB0];
	_ =	sdelay $0x4  }
0x268: {  	v61 =	vshll.u32 v3, $0x1  }
0x269: {  	v3 =	vand.u32 $0x7, v3;
	v4 =	vand.u32 $0xFFFFFFF0, v61  }
0x26a: {  	v3 =	vor.u32 v3, v4  }
0x26b: {  	v4 =	vperm.xlane v3, v0;
	_ =	sdelay $0x1  }
0x26c: {  	v3 =	vperm.xlane v3, v2;
	v4 =	vadd.s32 v1, v4;
	_ =	sdelay $0x1  }
0x26d: {  	v3 =	vadd.s32 v1, v3;
	_ =	sdelay $0x1  }
0x26e: {  	s28 =	simm.s32 $0xB100  }
0x26f: {  	[tilespmem:s28], [sflag:$0x1] =	stream.indirect_vreg.gather [hbm4b:s1+s3], $0x80, v4, vm0, $0xb8;
	[tilespmem:$0xD900] =	vst v63  }
0x270: {  	s0 =	simm.s32 $0xB900  }
0x271: {  	[tilespmem:s0], [sflag:$0x1] =	stream.indirect_vreg.gather [hbm4b:s1+s3], $0x80, v3, vm0, $0xb8;
	[tilespmem:$0xD900] =	vst v63  }
0x272: {  	v3 =	vld [tilespmem:$0xC0];
	_ =	sdelay $0x4  }
0x273: {  	v62 =	vshll.u32 v3, $0x1  }
0x274: {  	v3 =	vand.u32 $0x7, v3;
	v4 =	vand.u32 $0xFFFFFFF0, v62  }
0x275: {  	v3 =	vor.u32 v3, v4  }
0x276: {  	v4 =	vperm.xlane v3, v0;
	_ =	sdelay $0x1  }
0x277: {  	v3 =	vperm.xlane v3, v2;
	v4 =	vadd.s32 v1, v4;
	_ =	sdelay $0x1  }
0x278: {  	v3 =	vadd.s32 v1, v3;
	_ =	sdelay $0x1  }
0x279: {  	s30 =	simm.s32 $0xC100  }
0x27a: {  	[tilespmem:s30], [sflag:$0x1] =	stream.indirect_vreg.gather [hbm4b:s1+s3], $0x80, v4, vm0, $0xb8;
	[tilespmem:$0xD900] =	vst v63  }
0x27b: {  	s30 =	simm.s32 $0xC900  }
0x27c: {  	[tilespmem:s30], [sflag:$0x1] =	stream.indirect_vreg.gather [hbm4b:s1+s3], $0x80, v3, vm0, $0xb8;
	[tilespmem:$0xD900] =	vst v63  }
0x27d: {  	v3 =	vld.msk [tilespmem:$0xD0], $0xff;
	_ =	sdelay $0x4  }
0x27e: {  	v63 =	vshll.u32 v3, $0x1  }
0x27f: {  	v3 =	vand.u32 $0x7, v3;
	v4 =	vand.u32 $0xFFFFFFF0, v63  }
0x280: {  	v3 =	vor.u32 v3, v4  }
0x281: {  	v3 =	vperm.xlane v3, v0;
	_ =	sdelay $0x1  }
0x282: {  	v3 =	vadd.s32 v1, v3;
	_ =	sdelay $0x3  }
0x283: {  	s31 =	simm.s32 $0xD100  }
0x284: {  	[tilespmem:s31], [sflag:$0x1] =	stream.indirect_vreg.gather [hbm4b:s1+s3], $0x80, v3, vm0, $0xb8;
	[tilespmem:$0xD900] =	vst v63  }
0x285: {  	_ =	swait.ge [sflag:s7], $0xD800  }
0x286: {  	p0 =	sne.s32 s4, $0x1;
	[sflag:s7] =	ssyncset.done $0x0  }
.Ltmp0:
0x287: {  	s31 =	rddreg [dreg:$0xb];
	[sflag:s7] =	ssyncadd.s32 $0xFFFF2800;
	(pc) =	sbr.rel @p0 .LBB2_1-.Ltmp0, $4  }
0x288: {  	[hbm4b:s31+s3] =	stream.linear.scatter [tilespmem:s29], [sflag:$0x2], $0xD800, $0x38;
	[tilespmem:$0xD900] =	vst v63  }
0x289: {  	_ =	swait.ge [sflag:s5], $0xD800  }
0x28a: {  	[sflag:s5] =	ssyncset.done $0x0  }
0x28b: {  	s4 =	sadd.s32 $0xFFFFFFFF, s4;
	[sflag:s5] =	ssyncadd.s32 $0xFFFF2800  }
0x28c: {  	_ =	sfence.sel $0x180000  }
0x28d: {  	[bflag:$0x0] =	sbarrier.arrive $0xFFFF  }
0x28e: {  	_ =	strace $0x90000047  }
0x28f: {  	s0 =	stileid.u32;
	[bflag:$0x2] =	sbarrier.arrive $0xFFFF  }
0x290: {  	p0 =	sne.s32 s0, $0x0;
	s0 =	rddreg [dreg:$0x3]  }
0x291: {  	s0 =	sadd.s32 @!p0 $0x100000, s0  }
0x292: {  	[sflag:s0] =	ssyncadd.tile.s32 @!p0 $0x1;
	_ =	shalt  }
.Lfunc_end2:
_tile_overlayer_lowered:
.L_overlay_start_2:
0x293: {  	(tag) =	ssettag $0x2  }
0x294: {  	s0 =	rddreg [dreg:$0x0];
	s2 =	stileid.u32  }
0x295: {  	s1 =	rddreg [dreg:$0x1];
	p0 =	sne.s32 s2, $0x0  }
0x296: {  	s3 =	rddreg [dreg:$0x2];
	[bflag:$0x3] =	sbarrier.arrive $0xFFFF;
	s2 =	simm.s32 @!p0 $0x1C02  }
0x297: {  	[timem:s3], [sflag:s2] =	dma.local @!p0 [hbm:s0], s1  }
0x298: {  	s0 =	simm.s32 @!p0 $0x2  }
0x299: {  	_ =	swait.ge @!p0 [sflag:s0], s1  }
0x29a: {  	s1 =	ssub.s32 @!p0 $0x0, s1;
	[sflag:s0] =	ssyncset.done @!p0 $0x0  }
0x29b: {  	[sflag:s0] =	ssyncadd.s32 @!p0 s1  }
0x29c: {  	[bflag:$0x3] =	sbarrier.arrive $0xFFFF  }
0x29d: {  	_ =	shalt  }

</sc_bundles>
